<compile_context>
chip_gen: v7x
topology: tpu7x:2x2x1
jax: 0.10.2.dev20260603
libtpu: 0.0.44.dev20260713+nightly
codegen_flags: <defaults>
</compile_context>

<pallas_src>
import functools

import jax
import jax.numpy as jnp
import numpy as np
from jax import lax
from jax.experimental import pallas as pl
from jax.experimental.pallas import tpu as pltpu
from jax.experimental.pallas import tpu_sc as plsc

N_NODES = 10000
N_EDGES = 320000
IN_DIM = 128
HID = 128
OUT_DIM = 64
NUM_GRAPHS = 64

NC, NS, L = 2, 16, 16
NW = NC * NS
K = 128
NCH = 80
EPT = K * NCH
NPAD = 10112
RPT = NPAD // NS
NCH_H = NCH // 2

_MESH = plsc.VectorSubcoreMesh(core_axis_name="c", subcore_axis_name="s",
                               num_cores=NC, num_subcores=NS)



def _deg_body(dst_hbm, out_hbm, idx_v, deg_v):
    c = lax.axis_index("c")
    s = lax.axis_index("s")
    wid = c * NS + s
    pltpu.sync_copy(dst_hbm.at[wid], idx_v)
    zero16 = jnp.zeros((L,), jnp.float32)
    ones16 = jnp.full((L,), 1.0, jnp.float32)

    def zbody(i, carry):
        deg_v[pl.ds(pl.multiple_of(i * L, L), L)] = zero16
        return carry

    lax.fori_loop(0, NPAD // L, zbody, 0)

    def body(j, carry):
        for ci in range(K // L):
            idx16 = idx_v[j, pl.ds(ci * L, L)]
            plsc.addupdate_scatter(deg_v, [idx16], ones16)
        return carry

    lax.fori_loop(0, NCH, body, 0)
    pltpu.sync_copy(deg_v, out_hbm.at[wid])


_deg_call = functools.partial(
    pl.kernel,
    out_type=jax.ShapeDtypeStruct((NW, NPAD), jnp.float32),
    mesh=_MESH,
    compiler_params=pltpu.CompilerParams(needs_layout_passes=False),
    scratch_types=[
        pltpu.VMEM((NCH, K), jnp.int32),
        pltpu.VMEM((NPAD,), jnp.float32),
    ],
)(_deg_body)


def _agg_body(src_hbm, dst_hbm, h_hbm, zeros_hbm, out_hbm,
              src_v, dst_v, rows_v, agg_sh, gsem0, gsem1):
    c = lax.axis_index("c")
    s = lax.axis_index("s")
    wid = c * NS + s
    r0 = pl.multiple_of(s * RPT, 8)

    pltpu.sync_copy(src_hbm.at[wid, pl.ds(0, NCH_H)], src_v)
    pltpu.sync_copy(dst_hbm.at[wid, pl.ds(0, NCH_H)], dst_v)
    pltpu.async_copy(h_hbm.at[src_v.at[0]], rows_v.at[0], gsem0)
    pltpu.sync_copy(zeros_hbm.at[pl.ds(r0, RPT)], agg_sh.at[pl.ds(r0, RPT)])
    plsc.subcore_barrier()

    def body(jj, carry):
        j0 = jj * 2
        j1 = j0 + 1
        pltpu.make_async_copy(h_hbm.at[src_v.at[j0]], rows_v.at[0], gsem0).wait()
        pltpu.async_copy(h_hbm.at[src_v.at[j1]], rows_v.at[1], gsem1)
        pltpu.sync_copy(rows_v.at[0], agg_sh.at[dst_v.at[j0]], add=True)
        pltpu.make_async_copy(h_hbm.at[src_v.at[j1]], rows_v.at[1], gsem1).wait()

        @pl.when(j1 + 1 < NCH_H)
        def _():
            pltpu.async_copy(h_hbm.at[src_v.at[j0 + 2]], rows_v.at[0], gsem0)

        pltpu.sync_copy(rows_v.at[1], agg_sh.at[dst_v.at[j1]], add=True)
        return carry

    lax.fori_loop(0, NCH_H // 2, body, 0)
    pltpu.sync_copy(src_hbm.at[wid, pl.ds(NCH_H, NCH_H)], src_v)
    pltpu.sync_copy(dst_hbm.at[wid, pl.ds(NCH_H, NCH_H)], dst_v)
    pltpu.async_copy(h_hbm.at[src_v.at[0]], rows_v.at[0], gsem0)
    lax.fori_loop(0, NCH_H // 2, body, 0)
    plsc.subcore_barrier()
    pltpu.sync_copy(agg_sh.at[pl.ds(r0, RPT)], out_hbm.at[c, pl.ds(r0, RPT)])


_agg_call = functools.partial(
    pl.kernel,
    out_type=jax.ShapeDtypeStruct((NC, NPAD, HID), jnp.float32),
    mesh=_MESH,
    scratch_types=[
        pltpu.VMEM((NCH_H, K), jnp.int32),
        pltpu.VMEM((NCH_H, K), jnp.int32),
        pltpu.VMEM((2, K, HID), jnp.float32),
        pltpu.VMEM_SHARED((NPAD, HID), jnp.float32),
        pltpu.SemaphoreType.DMA,
        pltpu.SemaphoreType.DMA,
    ],
)(_agg_body)



_RB = 1000
_NBLK = N_NODES // _RB


def _dinv_from(deg_ref):
    d = jnp.sum(deg_ref[...], axis=1, keepdims=True) + 1.0
    return lax.rsqrt(d)


def _tc1a_body(x_ref, w1_ref, out_ref):
    out_ref[...] = jnp.dot(x_ref[...], w1_ref[...],
                           preferred_element_type=jnp.float32)


def _tc1a(x, W1):
    return pl.pallas_call(
        _tc1a_body,
        grid=(_NBLK,),
        in_specs=[
            pl.BlockSpec((_RB, IN_DIM), lambda i: (i, 0)),
            pl.BlockSpec((IN_DIM, HID), lambda i: (0, 0)),
        ],
        out_specs=pl.BlockSpec((_RB, HID), lambda i: (i, 0)),
        out_shape=jax.ShapeDtypeStruct((N_NODES, HID), jnp.float32),
    )(x, W1)


def _tc1b_body(h_ref, deg_ref, out_ref):
    out_ref[...] = h_ref[...] * _dinv_from(deg_ref)


def _tc1b(h1, deg2):
    return pl.pallas_call(
        _tc1b_body,
        grid=(_NBLK,),
        in_specs=[
            pl.BlockSpec((_RB, HID), lambda i: (i, 0)),
            pl.BlockSpec((_RB, NW), lambda i: (i, 0)),
        ],
        out_specs=pl.BlockSpec((_RB, HID), lambda i: (i, 0)),
        out_shape=jax.ShapeDtypeStruct((N_NODES, HID), jnp.float32),
    )(h1, deg2)


def _tc2_body(p_ref, hs_ref, deg_ref, b1_ref, w2_ref, out_ref):
    dinv = _dinv_from(deg_ref)
    agg = dinv * (p_ref[0] + p_ref[1] + hs_ref[...]) + b1_ref[...]
    t = jnp.maximum(agg, 0.0)
    out_ref[...] = jnp.dot(t, w2_ref[...],
                           preferred_element_type=jnp.float32) * dinv


def _tc2(P, hs1, deg2, b1, W2):
    return pl.pallas_call(
        _tc2_body,
        grid=(_NBLK,),
        in_specs=[
            pl.BlockSpec((NC, _RB, HID), lambda i: (0, i, 0)),
            pl.BlockSpec((_RB, HID), lambda i: (i, 0)),
            pl.BlockSpec((_RB, NW), lambda i: (i, 0)),
            pl.BlockSpec((1, HID), lambda i: (0, 0)),
            pl.BlockSpec((HID, HID), lambda i: (0, 0)),
        ],
        out_specs=pl.BlockSpec((_RB, HID), lambda i: (i, 0)),
        out_shape=jax.ShapeDtypeStruct((N_NODES, HID), jnp.float32),
    )(P, hs1, deg2, b1, W2)


def _tc3_body(q_ref, hs_ref, deg_ref, b2_ref, batch_ref,
              fc1w_ref, fc1b_ref, fc2w_ref, fc2b_ref, out_ref,
              acc_ref, cnt_ref):
    i = pl.program_id(0)

    @pl.when(i == 0)
    def _():
        acc_ref[...] = jnp.zeros_like(acc_ref)
        cnt_ref[...] = jnp.zeros_like(cnt_ref)

    dinv = _dinv_from(deg_ref)
    agg = dinv * (q_ref[0] + q_ref[1] + hs_ref[...]) + b2_ref[...]
    h = jnp.maximum(agg, 0.0)
    b = batch_ref[0]
    gids = lax.broadcasted_iota(jnp.int32, (NUM_GRAPHS, _RB), 0)
    onehot = (b == gids).astype(jnp.float32)
    acc_ref[...] += jnp.dot(onehot, h, preferred_element_type=jnp.float32)
    cnt_ref[...] += jnp.sum(onehot, axis=1, keepdims=True)

    @pl.when(i == _NBLK - 1)
    def _():
        pooled = acc_ref[...] / jnp.maximum(cnt_ref[...], 1.0)
        z = jnp.maximum(
            jnp.dot(pooled, fc1w_ref[...],
                    preferred_element_type=jnp.float32) + fc1b_ref[...], 0.0)
        out_ref[...] = jnp.dot(z, fc2w_ref[...],
                               preferred_element_type=jnp.float32) + fc2b_ref[...]


def _tc3(Q, hs2, deg2, b2, batch3, fc1_W, fc1_b, fc2_W, fc2_b):
    return pl.pallas_call(
        _tc3_body,
        grid=(_NBLK,),
        in_specs=[
            pl.BlockSpec((NC, _RB, HID), lambda i: (0, i, 0)),
            pl.BlockSpec((_RB, HID), lambda i: (i, 0)),
            pl.BlockSpec((_RB, NW), lambda i: (i, 0)),
            pl.BlockSpec((1, HID), lambda i: (0, 0)),
            pl.BlockSpec((1, 1, _RB), lambda i: (i, 0, 0)),
            pl.BlockSpec((HID, HID), lambda i: (0, 0)),
            pl.BlockSpec((1, HID), lambda i: (0, 0)),
            pl.BlockSpec((HID, OUT_DIM), lambda i: (0, 0)),
            pl.BlockSpec((1, OUT_DIM), lambda i: (0, 0)),
        ],
        out_specs=pl.BlockSpec((NUM_GRAPHS, OUT_DIM), lambda i: (0, 0)),
        out_shape=jax.ShapeDtypeStruct((NUM_GRAPHS, OUT_DIM), jnp.float32),
        scratch_shapes=[
            pltpu.VMEM((NUM_GRAPHS, HID), jnp.float32),
            pltpu.VMEM((NUM_GRAPHS, 1), jnp.float32),
        ],
    )(Q, hs2, deg2, b2, batch3, fc1_W, fc1_b, fc2_W, fc2_b)



def kernel(x, edge_index, batch, W1, b1, W2, b2, fc1_W, fc1_b, fc2_W, fc2_b):
    pad = NW * EPT - N_EDGES
    pad_src = (np.arange(pad, dtype=np.int32) * 13) % N_NODES
    pad_dst = N_NODES + (np.arange(pad, dtype=np.int32) % (NPAD - N_NODES))
    pads = jnp.asarray(np.stack([pad_src, pad_dst]))
    e3 = jnp.concatenate([edge_index, pads], axis=1).reshape(2, NW, NCH, K)
    src3, dst3 = e3[0], e3[1]

    zerosH = jnp.zeros((NPAD, HID), jnp.float32)

    h1 = _tc1a(x, W1)
    deg2 = _deg_call(dst3).T
    hs1 = _tc1b(h1, deg2)
    P = _agg_call(src3, dst3, hs1, zerosH)
    hs2 = _tc2(P, hs1, deg2, b1.reshape(1, HID), W2)
    Q = _agg_call(src3, dst3, hs2, zerosH)
    out = _tc3(Q, hs2, deg2, b2.reshape(1, HID),
               batch.reshape(_NBLK, 1, _RB),
               fc1_W, fc1_b.reshape(1, HID), fc2_W, fc2_b.reshape(1, OUT_DIM))
    return out

# --- scband reference (transcript-rebuilt; emitter-appended) ---
"""Pipeline reference for scband-graph-neural-network-2018634629265 (READ-ONLY COPY).

The authoritative reference and input builder live on the scoring server;
editing this copy changes nothing except your own understanding.
"""

import jax, jax.numpy as jnp
import numpy as np

N_NODES = 10000
N_EDGES = 320000
IN_DIM = 128
HID = 128
OUT_DIM = 64
NUM_GRAPHS = 64


def setup_inputs(seed: int = 0) -> dict:
    key = jax.random.key(seed)
    ks = jax.random.split(key, 12)
    x = jax.random.normal(ks[0], (N_NODES, IN_DIM), dtype=jnp.float32)
    edge_index = jax.random.randint(ks[1], (2, N_EDGES), 0, N_NODES, dtype=jnp.int32)
    batch = jnp.sort(jax.random.randint(ks[2], (N_NODES,), 0, NUM_GRAPHS, dtype=jnp.int32))
    def lin(k, fan_in, fan_out):
        bound = 1.0 / np.sqrt(fan_in)
        return jax.random.uniform(k, (fan_in, fan_out), jnp.float32, -bound, bound)
    W1 = lin(ks[3], IN_DIM, HID)
    b1 = jnp.zeros((HID,), jnp.float32)
    W2 = lin(ks[4], HID, HID)
    b2 = jnp.zeros((HID,), jnp.float32)
    fc1_W = lin(ks[5], HID, HID)
    fc1_b = jnp.zeros((HID,), jnp.float32)
    fc2_W = lin(ks[6], HID, OUT_DIM)
    fc2_b = jnp.zeros((OUT_DIM,), jnp.float32)
    return {"x": x, "edge_index": edge_index, "batch": batch,
            "W1": W1, "b1": b1, "W2": W2, "b2": b2,
            "fc1_W": fc1_W, "fc1_b": fc1_b, "fc2_W": fc2_W, "fc2_b": fc2_b}


def _gcn_conv(x, W, b, src, dst, norm):
    h = x @ W
    msg = h[src] * norm[:, None]
    agg = jax.ops.segment_sum(msg, dst, num_segments=N_NODES)
    return agg + b


def reference(x, edge_index, batch, W1, b1, W2, b2, fc1_W, fc1_b, fc2_W, fc2_b):
    loop = jnp.arange(N_NODES, dtype=edge_index.dtype)
    src = jnp.concatenate([edge_index[0], loop])
    dst = jnp.concatenate([edge_index[1], loop])
    deg = jax.ops.segment_sum(jnp.ones(src.shape[0], jnp.float32), dst, num_segments=N_NODES)
    dinv = jnp.where(deg > 0, jax.lax.rsqrt(jnp.maximum(deg, 1e-12)), 0.0)
    norm = dinv[src] * dinv[dst]
    h = jax.nn.relu(_gcn_conv(x, W1, b1, src, dst, norm))
    h = jax.nn.relu(_gcn_conv(h, W2, b2, src, dst, norm))
    counts = jax.ops.segment_sum(jnp.ones(N_NODES, jnp.float32), batch, num_segments=NUM_GRAPHS)
    summed = jax.ops.segment_sum(h, batch, num_segments=NUM_GRAPHS)
    pooled = summed / jnp.clip(counts, 1.0)[:, None]
    h = jax.nn.relu(pooled @ fc1_W + fc1_b)
    out = h @ fc2_W + fc2_b
    return out

if __name__ == "__main__":
    import jax
    _d = setup_inputs()
    print(jax.jit(kernel)(*tuple(_d.values())))

</pallas_src>

<mosaic_0001>
#map = affine_map<(d0, d1) -> (0, 0, 0)>
#map1 = affine_map<(d0, d1) -> (0, 0)>
module attributes {stable_mosaic.version = 14 : i64} {
  func.func @_deg_body(%arg0: i32, %arg1: i32, %arg2: memref<32x80x128xi32, #tpu.memory_space<hbm>>, %arg3: memref<32x10112xf32, #tpu.memory_space<hbm>>, %arg4: memref<80x128xi32, #tpu.memory_space<vmem>>, %arg5: memref<10112xf32, #tpu.memory_space<vmem>>) attributes {dimension_semantics = [#tpu.dimension_semantics<core_parallel>, #tpu.dimension_semantics<subcore_parallel>], iteration_bounds = array<i64: 2, 16>, scalar_prefetch = 0 : i64, scratch_operands = 2 : i64, tpu.core_type = #tpu.core_type<sc_vector_subcore>, window_params = [{transform_indices = #map}, {transform_indices = #map1}]} {
    %mul3A = arith.constant 16 : i32
    %mul3A_0 = arith.muli %arg0, %mul3A : i32
    %add3A = arith.addi %mul3A_0, %arg1 : i32
    "tpu.region"() ({
      %run_scoped3A = tpu.sem_alloc : memref<!tpu.dma_semaphore, #tpu.memory_space<semaphore_mem>>
      %dma_start3A = arith.constant 0 : i32
      %dma_start3A_15 = arith.constant 0 : i32
      %dma_start3A_16 = tpu.memref_slice %arg2[%add3A, %dma_start3A, %dma_start3A_15] : memref<32x80x128xi32, #tpu.memory_space<hbm>> -> memref<1x80x128xi32, #tpu.memory_space<hbm>>
      %dma_start3A_17 = tpu.memref_squeeze %dma_start3A_16 : memref<1x80x128xi32, #tpu.memory_space<hbm>> -> memref<80x128xi32, #tpu.memory_space<hbm>>
      %dma_start3A_18 = arith.constant 0 : i32
      %dma_start3A_19 = arith.constant 0 : i32
      %dma_start3A_20 = tpu.memref_slice %arg2[%add3A, %dma_start3A_18, %dma_start3A_19] : memref<32x80x128xi32, #tpu.memory_space<hbm>> -> memref<1x80x128xi32, #tpu.memory_space<hbm>>
      %dma_start3A_21 = tpu.memref_squeeze %dma_start3A_20 : memref<1x80x128xi32, #tpu.memory_space<hbm>> -> memref<80x128xi32, #tpu.memory_space<hbm>>
      tpu.enqueue_dma source(%dma_start3A_21 : memref<80x128xi32, #tpu.memory_space<hbm>>) target(%arg4 : memref<80x128xi32, #tpu.memory_space<vmem>>) target_semaphore(%run_scoped3A : memref<!tpu.dma_semaphore, #tpu.memory_space<semaphore_mem>>)
      %dma_wait3A = arith.constant 0 : i32
      %dma_wait3A_22 = arith.constant 0 : i32
      %dma_wait3A_23 = tpu.memref_slice %arg2[%add3A, %dma_wait3A, %dma_wait3A_22] : memref<32x80x128xi32, #tpu.memory_space<hbm>> -> memref<1x80x128xi32, #tpu.memory_space<hbm>>
      %dma_wait3A_24 = tpu.memref_squeeze %dma_wait3A_23 : memref<1x80x128xi32, #tpu.memory_space<hbm>> -> memref<80x128xi32, #tpu.memory_space<hbm>>
      %dma_wait3A_25 = arith.constant 0 : i32
      %dma_wait3A_26 = arith.constant 0 : i32
      %dma_wait3A_27 = tpu.memref_slice %arg2[%add3A, %dma_wait3A_25, %dma_wait3A_26] : memref<32x80x128xi32, #tpu.memory_space<hbm>> -> memref<1x80x128xi32, #tpu.memory_space<hbm>>
      %dma_wait3A_28 = tpu.memref_squeeze %dma_wait3A_27 : memref<1x80x128xi32, #tpu.memory_space<hbm>> -> memref<80x128xi32, #tpu.memory_space<hbm>>
      tpu.wait_dma2 semaphore(%run_scoped3A : memref<!tpu.dma_semaphore, #tpu.memory_space<semaphore_mem>>) src(%dma_wait3A_28 : memref<80x128xi32, #tpu.memory_space<hbm>>) dst(%arg4 : memref<80x128xi32, #tpu.memory_space<vmem>>)
      tpu.yield
    }) : () -> ()
    %broadcast_in_dim3A = arith.constant 0.000000e+00 : f32
    %broadcast_in_dim3A_1 = vector.broadcast %broadcast_in_dim3A : f32 to vector<16xf32>
    %broadcast_in_dim3A_2 = arith.constant 1.000000e+00 : f32
    %broadcast_in_dim3A_3 = vector.broadcast %broadcast_in_dim3A_2 : f32 to vector<16xf32>
    %scan3A = arith.constant 0 : i32
    %scan3A_4 = arith.constant 0 : i32
    %scan3A_5 = arith.constant 632 : i32
    %scan3A_6 = arith.addi %scan3A_4, %scan3A_5 : i32
    %scan3A_7 = arith.constant 1 : i32
    scf.for %scan3A_15 = %scan3A_4 to %scan3A_6 step %scan3A_7  : i32 {
      %mul3A_16 = arith.constant 16 : i32
      %mul3A_17 = arith.muli %scan3A_15, %mul3A_16 : i32
      %multiple_of3A = tpu.assume_multiple %mul3A_17, 16 : i32
      %swap3A = arith.index_cast %multiple_of3A : i32 to index
      %swap3A_18 = tpu.vector_load %arg5[%swap3A] {strides = array<i32>} : memref<10112xf32, #tpu.memory_space<vmem>>, vector<16xf32>,
      tpu.vector_store %arg5[%swap3A], %broadcast_in_dim3A_1 {strides = array<i32>} : memref<10112xf32, #tpu.memory_space<vmem>>, vector<16xf32>,
    }
    %scan3A_8 = arith.constant 632 : i32
    %scan3A_9 = arith.constant 0 : i32
    %scan3A_10 = arith.constant 0 : i32
    %scan3A_11 = arith.constant 80 : i32
    %scan3A_12 = arith.addi %scan3A_10, %scan3A_11 : i32
    %scan3A_13 = arith.constant 1 : i32
    scf.for %scan3A_15 = %scan3A_10 to %scan3A_12 step %scan3A_13  : i32 {
      %get3A = arith.index_cast %scan3A_15 : i32 to index
      %get3A_16 = arith.constant 0 : index
      %get3A_17 = tpu.vector_load %arg4[%get3A, %get3A_16] {strides = array<i32>} : memref<80x128xi32, #tpu.memory_space<vmem>>, vector<16xi32>,
      tpu.vector_store_idx %arg5[%get3A_17], %broadcast_in_dim3A_3 {add = true} : memref<10112xf32, #tpu.memory_space<vmem>>[vector<16xi32>], vector<16xf32>,
      %get3A_18 = arith.index_cast %scan3A_15 : i32 to index
      %get3A_19 = arith.constant 16 : index
      %get3A_20 = tpu.vector_load %arg4[%get3A_18, %get3A_19] {strides = array<i32>} : memref<80x128xi32, #tpu.memory_space<vmem>>, vector<16xi32>,
      tpu.vector_store_idx %arg5[%get3A_20], %broadcast_in_dim3A_3 {add = true} : memref<10112xf32, #tpu.memory_space<vmem>>[vector<16xi32>], vector<16xf32>,
      %get3A_21 = arith.index_cast %scan3A_15 : i32 to index
      %get3A_22 = arith.constant 32 : index
      %get3A_23 = tpu.vector_load %arg4[%get3A_21, %get3A_22] {strides = array<i32>} : memref<80x128xi32, #tpu.memory_space<vmem>>, vector<16xi32>,
      tpu.vector_store_idx %arg5[%get3A_23], %broadcast_in_dim3A_3 {add = true} : memref<10112xf32, #tpu.memory_space<vmem>>[vector<16xi32>], vector<16xf32>,
      %get3A_24 = arith.index_cast %scan3A_15 : i32 to index
      %get3A_25 = arith.constant 48 : index
      %get3A_26 = tpu.vector_load %arg4[%get3A_24, %get3A_25] {strides = array<i32>} : memref<80x128xi32, #tpu.memory_space<vmem>>, vector<16xi32>,
      tpu.vector_store_idx %arg5[%get3A_26], %broadcast_in_dim3A_3 {add = true} : memref<10112xf32, #tpu.memory_space<vmem>>[vector<16xi32>], vector<16xf32>,
      %get3A_27 = arith.index_cast %scan3A_15 : i32 to index
      %get3A_28 = arith.constant 64 : index
      %get3A_29 = tpu.vector_load %arg4[%get3A_27, %get3A_28] {strides = array<i32>} : memref<80x128xi32, #tpu.memory_space<vmem>>, vector<16xi32>,
      tpu.vector_store_idx %arg5[%get3A_29], %broadcast_in_dim3A_3 {add = true} : memref<10112xf32, #tpu.memory_space<vmem>>[vector<16xi32>], vector<16xf32>,
      %get3A_30 = arith.index_cast %scan3A_15 : i32 to index
      %get3A_31 = arith.constant 80 : index
      %get3A_32 = tpu.vector_load %arg4[%get3A_30, %get3A_31] {strides = array<i32>} : memref<80x128xi32, #tpu.memory_space<vmem>>, vector<16xi32>,
      tpu.vector_store_idx %arg5[%get3A_32], %broadcast_in_dim3A_3 {add = true} : memref<10112xf32, #tpu.memory_space<vmem>>[vector<16xi32>], vector<16xf32>,
      %get3A_33 = arith.index_cast %scan3A_15 : i32 to index
      %get3A_34 = arith.constant 96 : index
      %get3A_35 = tpu.vector_load %arg4[%get3A_33, %get3A_34] {strides = array<i32>} : memref<80x128xi32, #tpu.memory_space<vmem>>, vector<16xi32>,
      tpu.vector_store_idx %arg5[%get3A_35], %broadcast_in_dim3A_3 {add = true} : memref<10112xf32, #tpu.memory_space<vmem>>[vector<16xi32>], vector<16xf32>,
      %get3A_36 = arith.index_cast %scan3A_15 : i32 to index
      %get3A_37 = arith.constant 112 : index
      %get3A_38 = tpu.vector_load %arg4[%get3A_36, %get3A_37] {strides = array<i32>} : memref<80x128xi32, #tpu.memory_space<vmem>>, vector<16xi32>,
      tpu.vector_store_idx %arg5[%get3A_38], %broadcast_in_dim3A_3 {add = true} : memref<10112xf32, #tpu.memory_space<vmem>>[vector<16xi32>], vector<16xf32>,
    }
    %scan3A_14 = arith.constant 80 : i32
    "tpu.region"() ({
      %run_scoped3A = tpu.sem_alloc : memref<!tpu.dma_semaphore, #tpu.memory_space<semaphore_mem>>
      %dma_start3A = arith.constant 0 : i32
      %dma_start3A_15 = tpu.memref_slice %arg3[%add3A, %dma_start3A] : memref<32x10112xf32, #tpu.memory_space<hbm>> -> memref<1x10112xf32, #tpu.memory_space<hbm>>
      %dma_start3A_16 = tpu.memref_squeeze %dma_start3A_15 : memref<1x10112xf32, #tpu.memory_space<hbm>> -> memref<10112xf32, #tpu.memory_space<hbm>>
      %dma_start3A_17 = arith.constant 0 : i32
      %dma_start3A_18 = tpu.memref_slice %arg3[%add3A, %dma_start3A_17] : memref<32x10112xf32, #tpu.memory_space<hbm>> -> memref<1x10112xf32, #tpu.memory_space<hbm>>
      %dma_start3A_19 = tpu.memref_squeeze %dma_start3A_18 : memref<1x10112xf32, #tpu.memory_space<hbm>> -> memref<10112xf32, #tpu.memory_space<hbm>>
      tpu.enqueue_dma source(%arg5 : memref<10112xf32, #tpu.memory_space<vmem>>) target(%dma_start3A_19 : memref<10112xf32, #tpu.memory_space<hbm>>) target_semaphore(%run_scoped3A : memref<!tpu.dma_semaphore, #tpu.memory_space<semaphore_mem>>)
      %dma_wait3A = arith.constant 0 : i32
      %dma_wait3A_20 = tpu.memref_slice %arg3[%add3A, %dma_wait3A] : memref<32x10112xf32, #tpu.memory_space<hbm>> -> memref<1x10112xf32, #tpu.memory_space<hbm>>
      %dma_wait3A_21 = tpu.memref_squeeze %dma_wait3A_20 : memref<1x10112xf32, #tpu.memory_space<hbm>> -> memref<10112xf32, #tpu.memory_space<hbm>>
      %dma_wait3A_22 = arith.constant 0 : i32
      %dma_wait3A_23 = tpu.memref_slice %arg3[%add3A, %dma_wait3A_22] : memref<32x10112xf32, #tpu.memory_space<hbm>> -> memref<1x10112xf32, #tpu.memory_space<hbm>>
      %dma_wait3A_24 = tpu.memref_squeeze %dma_wait3A_23 : memref<1x10112xf32, #tpu.memory_space<hbm>> -> memref<10112xf32, #tpu.memory_space<hbm>>
      tpu.wait_dma2 semaphore(%run_scoped3A : memref<!tpu.dma_semaphore, #tpu.memory_space<semaphore_mem>>) src(%arg5 : memref<10112xf32, #tpu.memory_space<vmem>>) dst(%dma_wait3A_24 : memref<10112xf32, #tpu.memory_space<hbm>>)
      tpu.yield
    }) : () -> ()
    return
  }
}

#map = affine_map<(d0, d1) -> (0, 0, 0)>
#map1 = affine_map<(d0, d1) -> (0, 0)>
module attributes {stable_mosaic.version = 14 : i64} {
  func.func @_agg_body(%arg0: i32, %arg1: i32, %arg2: memref<32x80x128xi32, #tpu.memory_space<hbm>>, %arg3: memref<32x80x128xi32, #tpu.memory_space<hbm>>, %arg4: memref<10000x128xf32, #tpu.memory_space<hbm>>, %arg5: memref<10112x128xf32, #tpu.memory_space<hbm>>, %arg6: memref<2x10112x128xf32, #tpu.memory_space<hbm>>, %arg7: memref<40x128xi32, #tpu.memory_space<vmem>>, %arg8: memref<40x128xi32, #tpu.memory_space<vmem>>, %arg9: memref<2x128x128xf32, #tpu.memory_space<vmem>>, %arg10: memref<10112x128xf32, #tpu.memory_space<vmem_shared>>, %arg11: memref<!tpu.dma_semaphore, #tpu.memory_space<semaphore_mem>>, %arg12: memref<!tpu.dma_semaphore, #tpu.memory_space<semaphore_mem>>) attributes {dimension_semantics = [#tpu.dimension_semantics<core_parallel>, #tpu.dimension_semantics<subcore_parallel>], iteration_bounds = array<i64: 2, 16>, scalar_prefetch = 0 : i64, scratch_operands = 6 : i64, tpu.core_type = #tpu.core_type<sc_vector_subcore>, window_params = [{transform_indices = #map}, {transform_indices = #map}, {transform_indices = #map1}, {transform_indices = #map1}, {transform_indices = #map}]} {
    %mul3A = arith.constant 16 : i32
    %mul3A_0 = arith.muli %arg0, %mul3A : i32
    %add3A = arith.addi %mul3A_0, %arg1 : i32
    %mul3A_1 = arith.constant 632 : i32
    %mul3A_2 = arith.muli %arg1, %mul3A_1 : i32
    %multiple_of3A = tpu.assume_multiple %mul3A_2, 8 : i32
    "tpu.region"() ({
      %run_scoped3A = tpu.sem_alloc : memref<!tpu.dma_semaphore, #tpu.memory_space<semaphore_mem>>
      %dma_start3A_38 = arith.constant 0 : i32
      %dma_start3A_39 = arith.constant 0 : i32
      %dma_start3A_40 = tpu.memref_slice %arg2[%add3A, %dma_start3A_38, %dma_start3A_39] : memref<32x80x128xi32, #tpu.memory_space<hbm>> -> memref<1x40x128xi32, #tpu.memory_space<hbm>>
      %dma_start3A_41 = tpu.memref_squeeze %dma_start3A_40 : memref<1x40x128xi32, #tpu.memory_space<hbm>> -> memref<40x128xi32, #tpu.memory_space<hbm>>
      %dma_start3A_42 = arith.constant 0 : i32
      %dma_start3A_43 = arith.constant 0 : i32
      %dma_start3A_44 = tpu.memref_slice %arg2[%add3A, %dma_start3A_42, %dma_start3A_43] : memref<32x80x128xi32, #tpu.memory_space<hbm>> -> memref<1x40x128xi32, #tpu.memory_space<hbm>>
      %dma_start3A_45 = tpu.memref_squeeze %dma_start3A_44 : memref<1x40x128xi32, #tpu.memory_space<hbm>> -> memref<40x128xi32, #tpu.memory_space<hbm>>
      tpu.enqueue_dma source(%dma_start3A_45 : memref<40x128xi32, #tpu.memory_space<hbm>>) target(%arg7 : memref<40x128xi32, #tpu.memory_space<vmem>>) target_semaphore(%run_scoped3A : memref<!tpu.dma_semaphore, #tpu.memory_space<semaphore_mem>>)
      %dma_wait3A = arith.constant 0 : i32
      %dma_wait3A_46 = arith.constant 0 : i32
      %dma_wait3A_47 = tpu.memref_slice %arg2[%add3A, %dma_wait3A, %dma_wait3A_46] : memref<32x80x128xi32, #tpu.memory_space<hbm>> -> memref<1x40x128xi32, #tpu.memory_space<hbm>>
      %dma_wait3A_48 = tpu.memref_squeeze %dma_wait3A_47 : memref<1x40x128xi32, #tpu.memory_space<hbm>> -> memref<40x128xi32, #tpu.memory_space<hbm>>
      %dma_wait3A_49 = arith.constant 0 : i32
      %dma_wait3A_50 = arith.constant 0 : i32
      %dma_wait3A_51 = tpu.memref_slice %arg2[%add3A, %dma_wait3A_49, %dma_wait3A_50] : memref<32x80x128xi32, #tpu.memory_space<hbm>> -> memref<1x40x128xi32, #tpu.memory_space<hbm>>
      %dma_wait3A_52 = tpu.memref_squeeze %dma_wait3A_51 : memref<1x40x128xi32, #tpu.memory_space<hbm>> -> memref<40x128xi32, #tpu.memory_space<hbm>>
      tpu.wait_dma2 semaphore(%run_scoped3A : memref<!tpu.dma_semaphore, #tpu.memory_space<semaphore_mem>>) src(%dma_wait3A_52 : memref<40x128xi32, #tpu.memory_space<hbm>>) dst(%arg7 : memref<40x128xi32, #tpu.memory_space<vmem>>)
      tpu.yield
    }) : () -> ()
    "tpu.region"() ({
      %run_scoped3A = tpu.sem_alloc : memref<!tpu.dma_semaphore, #tpu.memory_space<semaphore_mem>>
      %dma_start3A_38 = arith.constant 0 : i32
      %dma_start3A_39 = arith.constant 0 : i32
      %dma_start3A_40 = tpu.memref_slice %arg3[%add3A, %dma_start3A_38, %dma_start3A_39] : memref<32x80x128xi32, #tpu.memory_space<hbm>> -> memref<1x40x128xi32, #tpu.memory_space<hbm>>
      %dma_start3A_41 = tpu.memref_squeeze %dma_start3A_40 : memref<1x40x128xi32, #tpu.memory_space<hbm>> -> memref<40x128xi32, #tpu.memory_space<hbm>>
      %dma_start3A_42 = arith.constant 0 : i32
      %dma_start3A_43 = arith.constant 0 : i32
      %dma_start3A_44 = tpu.memref_slice %arg3[%add3A, %dma_start3A_42, %dma_start3A_43] : memref<32x80x128xi32, #tpu.memory_space<hbm>> -> memref<1x40x128xi32, #tpu.memory_space<hbm>>
      %dma_start3A_45 = tpu.memref_squeeze %dma_start3A_44 : memref<1x40x128xi32, #tpu.memory_space<hbm>> -> memref<40x128xi32, #tpu.memory_space<hbm>>
      tpu.enqueue_dma source(%dma_start3A_45 : memref<40x128xi32, #tpu.memory_space<hbm>>) target(%arg8 : memref<40x128xi32, #tpu.memory_space<vmem>>) target_semaphore(%run_scoped3A : memref<!tpu.dma_semaphore, #tpu.memory_space<semaphore_mem>>)
      %dma_wait3A = arith.constant 0 : i32
      %dma_wait3A_46 = arith.constant 0 : i32
      %dma_wait3A_47 = tpu.memref_slice %arg3[%add3A, %dma_wait3A, %dma_wait3A_46] : memref<32x80x128xi32, #tpu.memory_space<hbm>> -> memref<1x40x128xi32, #tpu.memory_space<hbm>>
      %dma_wait3A_48 = tpu.memref_squeeze %dma_wait3A_47 : memref<1x40x128xi32, #tpu.memory_space<hbm>> -> memref<40x128xi32, #tpu.memory_space<hbm>>
      %dma_wait3A_49 = arith.constant 0 : i32
      %dma_wait3A_50 = arith.constant 0 : i32
      %dma_wait3A_51 = tpu.memref_slice %arg3[%add3A, %dma_wait3A_49, %dma_wait3A_50] : memref<32x80x128xi32, #tpu.memory_space<hbm>> -> memref<1x40x128xi32, #tpu.memory_space<hbm>>
      %dma_wait3A_52 = tpu.memref_squeeze %dma_wait3A_51 : memref<1x40x128xi32, #tpu.memory_space<hbm>> -> memref<40x128xi32, #tpu.memory_space<hbm>>
      tpu.wait_dma2 semaphore(%run_scoped3A : memref<!tpu.dma_semaphore, #tpu.memory_space<semaphore_mem>>) src(%dma_wait3A_52 : memref<40x128xi32, #tpu.memory_space<hbm>>) dst(%arg8 : memref<40x128xi32, #tpu.memory_space<vmem>>)
      tpu.yield
    }) : () -> ()
    %dma_start3A = arith.constant 0 : i32
    %dma_start3A_3 = arith.constant 0 : i32
    %dma_start3A_4 = arith.constant 0 : i32
    %dma_start3A_5 = arith.constant 0 : i32
    %dma_start3A_6 = tpu.memref_slice %arg9[%dma_start3A_3, %dma_start3A_4, %dma_start3A_5] : memref<2x128x128xf32, #tpu.memory_space<vmem>> -> memref<1x128x128xf32, #tpu.memory_space<vmem>>
    %dma_start3A_7 = tpu.memref_squeeze %dma_start3A_6 : memref<1x128x128xf32, #tpu.memory_space<vmem>> -> memref<128x128xf32, #tpu.memory_space<vmem>>
    %dma_start3A_8 = arith.constant 0 : i32
    %dma_start3A_9 = tpu.memref_slice %arg7[%dma_start3A, %dma_start3A_8] : memref<40x128xi32, #tpu.memory_space<vmem>> -> memref<1x128xi32, #tpu.memory_space<vmem>>
    %dma_start3A_10 = tpu.memref_squeeze %dma_start3A_9 : memref<1x128xi32, #tpu.memory_space<vmem>> -> memref<128xi32, #tpu.memory_space<vmem>>
    %dma_start3A_11 = arith.constant 0 : i32
    %dma_start3A_12 = arith.constant 0 : i32
    %dma_start3A_13 = tpu.memref_slice %arg4[%dma_start3A_11, %dma_start3A_12] : memref<10000x128xf32, #tpu.memory_space<hbm>> -> memref<10000x128xf32, #tpu.memory_space<hbm>>
    tpu.enqueue_indirect_dma source(%dma_start3A_13 : memref<10000x128xf32, #tpu.memory_space<hbm>>) target(%dma_start3A_7 : memref<128x128xf32, #tpu.memory_space<vmem>>) offsets(%dma_start3A_10 : memref<128xi32, #tpu.memory_space<vmem>>) semaphore(%arg11 : memref<!tpu.dma_semaphore, #tpu.memory_space<semaphore_mem>>)
    "tpu.region"() ({
      %run_scoped3A = tpu.sem_alloc : memref<!tpu.dma_semaphore, #tpu.memory_space<semaphore_mem>>
      %dma_start3A_38 = arith.constant 0 : i32
      %dma_start3A_39 = tpu.memref_slice %arg10[%multiple_of3A, %dma_start3A_38] : memref<10112x128xf32, #tpu.memory_space<vmem_shared>> -> memref<632x128xf32, #tpu.memory_space<vmem_shared>>
      %dma_start3A_40 = arith.constant 0 : i32
      %dma_start3A_41 = tpu.memref_slice %arg5[%multiple_of3A, %dma_start3A_40] : memref<10112x128xf32, #tpu.memory_space<hbm>> -> memref<632x128xf32, #tpu.memory_space<hbm>>
      tpu.enqueue_dma source(%dma_start3A_41 : memref<632x128xf32, #tpu.memory_space<hbm>>) target(%dma_start3A_39 : memref<632x128xf32, #tpu.memory_space<vmem_shared>>) target_semaphore(%run_scoped3A : memref<!tpu.dma_semaphore, #tpu.memory_space<semaphore_mem>>)
      %dma_wait3A = arith.constant 0 : i32
      %dma_wait3A_42 = tpu.memref_slice %arg10[%multiple_of3A, %dma_wait3A] : memref<10112x128xf32, #tpu.memory_space<vmem_shared>> -> memref<632x128xf32, #tpu.memory_space<vmem_shared>>
      %dma_wait3A_43 = arith.constant 0 : i32
      %dma_wait3A_44 = tpu.memref_slice %arg5[%multiple_of3A, %dma_wait3A_43] : memref<10112x128xf32, #tpu.memory_space<hbm>> -> memref<632x128xf32, #tpu.memory_space<hbm>>
      tpu.wait_dma2 semaphore(%run_scoped3A : memref<!tpu.dma_semaphore, #tpu.memory_space<semaphore_mem>>) src(%dma_wait3A_44 : memref<632x128xf32, #tpu.memory_space<hbm>>) dst(%dma_wait3A_42 : memref<632x128xf32, #tpu.memory_space<vmem_shared>>)
      tpu.yield
    }) : () -> ()
    %barrier3A = arith.constant 0 : index
    tpu.barrier barrier_id(%barrier3A)
    %scan3A = arith.constant 0 : i32
    %scan3A_14 = arith.constant 0 : i32
    %scan3A_15 = arith.constant 20 : i32
    %scan3A_16 = arith.addi %scan3A_14, %scan3A_15 : i32
    %scan3A_17 = arith.constant 1 : i32
    scf.for %scan3A_38 = %scan3A_14 to %scan3A_16 step %scan3A_17  : i32 {
      %mul3A_39 = arith.constant 2 : i32
      %mul3A_40 = arith.muli %scan3A_38, %mul3A_39 : i32
      %add3A_41 = arith.constant 1 : i32
      %add3A_42 = arith.addi %mul3A_40, %add3A_41 : i32
      %dma_wait3A = arith.constant 0 : i32
      %dma_wait3A_43 = arith.constant 0 : i32
      %dma_wait3A_44 = arith.constant 0 : i32
      %dma_wait3A_45 = tpu.memref_slice %arg9[%dma_wait3A, %dma_wait3A_43, %dma_wait3A_44] : memref<2x128x128xf32, #tpu.memory_space<vmem>> -> memref<1x128x128xf32, #tpu.memory_space<vmem>>
      %dma_wait3A_46 = tpu.memref_squeeze %dma_wait3A_45 : memref<1x128x128xf32, #tpu.memory_space<vmem>> -> memref<128x128xf32, #tpu.memory_space<vmem>>
      %dma_wait3A_47 = arith.constant 0 : i32
      %dma_wait3A_48 = tpu.memref_slice %arg7[%mul3A_40, %dma_wait3A_47] : memref<40x128xi32, #tpu.memory_space<vmem>> -> memref<1x128xi32, #tpu.memory_space<vmem>>
      %dma_wait3A_49 = tpu.memref_squeeze %dma_wait3A_48 : memref<1x128xi32, #tpu.memory_space<vmem>> -> memref<128xi32, #tpu.memory_space<vmem>>
      %dma_wait3A_50 = arith.constant 0 : i32
      %dma_wait3A_51 = arith.constant 0 : i32
      %dma_wait3A_52 = tpu.memref_slice %arg4[%dma_wait3A_50, %dma_wait3A_51] : memref<10000x128xf32, #tpu.memory_space<hbm>> -> memref<10000x128xf32, #tpu.memory_space<hbm>>
      tpu.wait_indirect_dma semaphore(%arg11 : memref<!tpu.dma_semaphore, #tpu.memory_space<semaphore_mem>>) src(%dma_wait3A_52 : memref<10000x128xf32, #tpu.memory_space<hbm>>) dst(%dma_wait3A_46 : memref<128x128xf32, #tpu.memory_space<vmem>>)
      %dma_start3A_53 = arith.constant 1 : i32
      %dma_start3A_54 = arith.constant 0 : i32
      %dma_start3A_55 = arith.constant 0 : i32
      %dma_start3A_56 = tpu.memref_slice %arg9[%dma_start3A_53, %dma_start3A_54, %dma_start3A_55] : memref<2x128x128xf32, #tpu.memory_space<vmem>> -> memref<1x128x128xf32, #tpu.memory_space<vmem>>
      %dma_start3A_57 = tpu.memref_squeeze %dma_start3A_56 : memref<1x128x128xf32, #tpu.memory_space<vmem>> -> memref<128x128xf32, #tpu.memory_space<vmem>>
      %dma_start3A_58 = arith.constant 0 : i32
      %dma_start3A_59 = tpu.memref_slice %arg7[%add3A_42, %dma_start3A_58] : memref<40x128xi32, #tpu.memory_space<vmem>> -> memref<1x128xi32, #tpu.memory_space<vmem>>
      %dma_start3A_60 = tpu.memref_squeeze %dma_start3A_59 : memref<1x128xi32, #tpu.memory_space<vmem>> -> memref<128xi32, #tpu.memory_space<vmem>>
      %dma_start3A_61 = arith.constant 0 : i32
      %dma_start3A_62 = arith.constant 0 : i32
      %dma_start3A_63 = tpu.memref_slice %arg4[%dma_start3A_61, %dma_start3A_62] : memref<10000x128xf32, #tpu.memory_space<hbm>> -> memref<10000x128xf32, #tpu.memory_space<hbm>>
      tpu.enqueue_indirect_dma source(%dma_start3A_63 : memref<10000x128xf32, #tpu.memory_space<hbm>>) target(%dma_start3A_57 : memref<128x128xf32, #tpu.memory_space<vmem>>) offsets(%dma_start3A_60 : memref<128xi32, #tpu.memory_space<vmem>>) semaphore(%arg12 : memref<!tpu.dma_semaphore, #tpu.memory_space<semaphore_mem>>)
      %run_scoped3A = arith.constant 0 : i32
      "tpu.region"() ({
        %run_scoped3A_80 = tpu.sem_alloc : memref<!tpu.dma_semaphore, #tpu.memory_space<semaphore_mem>>
        %dma_start3A_81 = arith.constant 0 : i32
        %dma_start3A_82 = arith.constant 0 : i32
        %dma_start3A_83 = tpu.memref_slice %arg9[%run_scoped3A, %dma_start3A_81, %dma_start3A_82] : memref<2x128x128xf32, #tpu.memory_space<vmem>> -> memref<1x128x128xf32, #tpu.memory_space<vmem>>
        %dma_start3A_84 = tpu.memref_squeeze %dma_start3A_83 : memref<1x128x128xf32, #tpu.memory_space<vmem>> -> memref<128x128xf32, #tpu.memory_space<vmem>>
        %dma_start3A_85 = arith.constant 0 : i32
        %dma_start3A_86 = tpu.memref_slice %arg8[%mul3A_40, %dma_start3A_85] : memref<40x128xi32, #tpu.memory_space<vmem>> -> memref<1x128xi32, #tpu.memory_space<vmem>>
        %dma_start3A_87 = tpu.memref_squeeze %dma_start3A_86 : memref<1x128xi32, #tpu.memory_space<vmem>> -> memref<128xi32, #tpu.memory_space<vmem>>
        %dma_start3A_88 = arith.constant 0 : i32
        %dma_start3A_89 = arith.constant 0 : i32
        %dma_start3A_90 = tpu.memref_slice %arg10[%dma_start3A_88, %dma_start3A_89] : memref<10112x128xf32, #tpu.memory_space<vmem_shared>> -> memref<10112x128xf32, #tpu.memory_space<vmem_shared>>
        tpu.enqueue_indirect_dma source(%dma_start3A_84 : memref<128x128xf32, #tpu.memory_space<vmem>>) target(%dma_start3A_90 : memref<10112x128xf32, #tpu.memory_space<vmem_shared>>) offsets(%dma_start3A_87 : memref<128xi32, #tpu.memory_space<vmem>>) semaphore(%run_scoped3A_80 : memref<!tpu.dma_semaphore, #tpu.memory_space<semaphore_mem>>) {add = true}
        %dma_wait3A_91 = arith.constant 0 : i32
        %dma_wait3A_92 = arith.constant 0 : i32
        %dma_wait3A_93 = tpu.memref_slice %arg9[%run_scoped3A, %dma_wait3A_91, %dma_wait3A_92] : memref<2x128x128xf32, #tpu.memory_space<vmem>> -> memref<1x128x128xf32, #tpu.memory_space<vmem>>
        %dma_wait3A_94 = tpu.memref_squeeze %dma_wait3A_93 : memref<1x128x128xf32, #tpu.memory_space<vmem>> -> memref<128x128xf32, #tpu.memory_space<vmem>>
        %dma_wait3A_95 = arith.constant 0 : i32
        %dma_wait3A_96 = tpu.memref_slice %arg8[%mul3A_40, %dma_wait3A_95] : memref<40x128xi32, #tpu.memory_space<vmem>> -> memref<1x128xi32, #tpu.memory_space<vmem>>
        %dma_wait3A_97 = tpu.memref_squeeze %dma_wait3A_96 : memref<1x128xi32, #tpu.memory_space<vmem>> -> memref<128xi32, #tpu.memory_space<vmem>>
        %dma_wait3A_98 = arith.constant 0 : i32
        %dma_wait3A_99 = arith.constant 0 : i32
        %dma_wait3A_100 = tpu.memref_slice %arg10[%dma_wait3A_98, %dma_wait3A_99] : memref<10112x128xf32, #tpu.memory_space<vmem_shared>> -> memref<10112x128xf32, #tpu.memory_space<vmem_shared>>
        tpu.wait_indirect_dma semaphore(%run_scoped3A_80 : memref<!tpu.dma_semaphore, #tpu.memory_space<semaphore_mem>>) src(%dma_wait3A_94 : memref<128x128xf32, #tpu.memory_space<vmem>>) dst(%dma_wait3A_100 : memref<10112x128xf32, #tpu.memory_space<vmem_shared>>)
        tpu.yield
      }) : () -> ()
      %dma_wait3A_64 = arith.constant 1 : i32
      %dma_wait3A_65 = arith.constant 0 : i32
      %dma_wait3A_66 = arith.constant 0 : i32
      %dma_wait3A_67 = tpu.memref_slice %arg9[%dma_wait3A_64, %dma_wait3A_65, %dma_wait3A_66] : memref<2x128x128xf32, #tpu.memory_space<vmem>> -> memref<1x128x128xf32, #tpu.memory_space<vmem>>
      %dma_wait3A_68 = tpu.memref_squeeze %dma_wait3A_67 : memref<1x128x128xf32, #tpu.memory_space<vmem>> -> memref<128x128xf32, #tpu.memory_space<vmem>>
      %dma_wait3A_69 = arith.constant 0 : i32
      %dma_wait3A_70 = tpu.memref_slice %arg7[%add3A_42, %dma_wait3A_69] : memref<40x128xi32, #tpu.memory_space<vmem>> -> memref<1x128xi32, #tpu.memory_space<vmem>>
      %dma_wait3A_71 = tpu.memref_squeeze %dma_wait3A_70 : memref<1x128xi32, #tpu.memory_space<vmem>> -> memref<128xi32, #tpu.memory_space<vmem>>
      %dma_wait3A_72 = arith.constant 0 : i32
      %dma_wait3A_73 = arith.constant 0 : i32
      %dma_wait3A_74 = tpu.memref_slice %arg4[%dma_wait3A_72, %dma_wait3A_73] : memref<10000x128xf32, #tpu.memory_space<hbm>> -> memref<10000x128xf32, #tpu.memory_space<hbm>>
      tpu.wait_indirect_dma semaphore(%arg12 : memref<!tpu.dma_semaphore, #tpu.memory_space<semaphore_mem>>) src(%dma_wait3A_74 : memref<10000x128xf32, #tpu.memory_space<hbm>>) dst(%dma_wait3A_68 : memref<128x128xf32, #tpu.memory_space<vmem>>)
      %add3A_75 = arith.constant 1 : i32
      %add3A_76 = arith.addi %add3A_42, %add3A_75 : i32
      %lt3A = arith.constant 40 : i32
      %lt3A_77 = arith.cmpi slt, %add3A_76, %lt3A : i32
      %convert_element_type3A = arith.extui %lt3A_77 : i1 to i32
      %cond3A = arith.constant 0 : i32
      %cond3A_78 = arith.cmpi ne, %convert_element_type3A, %cond3A : i32
      scf.if %cond3A_78 {
        %add3A_80 = arith.constant 2 : i32
        %add3A_81 = arith.addi %mul3A_40, %add3A_80 : i32
        %dma_start3A_82 = arith.constant 0 : i32
        %dma_start3A_83 = arith.constant 0 : i32
        %dma_start3A_84 = arith.constant 0 : i32
        %dma_start3A_85 = tpu.memref_slice %arg9[%dma_start3A_82, %dma_start3A_83, %dma_start3A_84] : memref<2x128x128xf32, #tpu.memory_space<vmem>> -> memref<1x128x128xf32, #tpu.memory_space<vmem>>
        %dma_start3A_86 = tpu.memref_squeeze %dma_start3A_85 : memref<1x128x128xf32, #tpu.memory_space<vmem>> -> memref<128x128xf32, #tpu.memory_space<vmem>>
        %dma_start3A_87 = arith.constant 0 : i32
        %dma_start3A_88 = tpu.memref_slice %arg7[%add3A_81, %dma_start3A_87] : memref<40x128xi32, #tpu.memory_space<vmem>> -> memref<1x128xi32, #tpu.memory_space<vmem>>
        %dma_start3A_89 = tpu.memref_squeeze %dma_start3A_88 : memref<1x128xi32, #tpu.memory_space<vmem>> -> memref<128xi32, #tpu.memory_space<vmem>>
        %dma_start3A_90 = arith.constant 0 : i32
        %dma_start3A_91 = arith.constant 0 : i32
        %dma_start3A_92 = tpu.memref_slice %arg4[%dma_start3A_90, %dma_start3A_91] : memref<10000x128xf32, #tpu.memory_space<hbm>> -> memref<10000x128xf32, #tpu.memory_space<hbm>>
        tpu.enqueue_indirect_dma source(%dma_start3A_92 : memref<10000x128xf32, #tpu.memory_space<hbm>>) target(%dma_start3A_86 : memref<128x128xf32, #tpu.memory_space<vmem>>) offsets(%dma_start3A_89 : memref<128xi32, #tpu.memory_space<vmem>>) semaphore(%arg11 : memref<!tpu.dma_semaphore, #tpu.memory_space<semaphore_mem>>)
      } else {
      }
      %run_scoped3A_79 = arith.constant 1 : i32
      "tpu.region"() ({
        %run_scoped3A_80 = tpu.sem_alloc : memref<!tpu.dma_semaphore, #tpu.memory_space<semaphore_mem>>
        %dma_start3A_81 = arith.constant 0 : i32
        %dma_start3A_82 = arith.constant 0 : i32
        %dma_start3A_83 = tpu.memref_slice %arg9[%run_scoped3A_79, %dma_start3A_81, %dma_start3A_82] : memref<2x128x128xf32, #tpu.memory_space<vmem>> -> memref<1x128x128xf32, #tpu.memory_space<vmem>>
        %dma_start3A_84 = tpu.memref_squeeze %dma_start3A_83 : memref<1x128x128xf32, #tpu.memory_space<vmem>> -> memref<128x128xf32, #tpu.memory_space<vmem>>
        %dma_start3A_85 = arith.constant 0 : i32
        %dma_start3A_86 = tpu.memref_slice %arg8[%add3A_42, %dma_start3A_85] : memref<40x128xi32, #tpu.memory_space<vmem>> -> memref<1x128xi32, #tpu.memory_space<vmem>>
        %dma_start3A_87 = tpu.memref_squeeze %dma_start3A_86 : memref<1x128xi32, #tpu.memory_space<vmem>> -> memref<128xi32, #tpu.memory_space<vmem>>
        %dma_start3A_88 = arith.constant 0 : i32
        %dma_start3A_89 = arith.constant 0 : i32
        %dma_start3A_90 = tpu.memref_slice %arg10[%dma_start3A_88, %dma_start3A_89] : memref<10112x128xf32, #tpu.memory_space<vmem_shared>> -> memref<10112x128xf32, #tpu.memory_space<vmem_shared>>
        tpu.enqueue_indirect_dma source(%dma_start3A_84 : memref<128x128xf32, #tpu.memory_space<vmem>>) target(%dma_start3A_90 : memref<10112x128xf32, #tpu.memory_space<vmem_shared>>) offsets(%dma_start3A_87 : memref<128xi32, #tpu.memory_space<vmem>>) semaphore(%run_scoped3A_80 : memref<!tpu.dma_semaphore, #tpu.memory_space<semaphore_mem>>) {add = true}
        %dma_wait3A_91 = arith.constant 0 : i32
        %dma_wait3A_92 = arith.constant 0 : i32
        %dma_wait3A_93 = tpu.memref_slice %arg9[%run_scoped3A_79, %dma_wait3A_91, %dma_wait3A_92] : memref<2x128x128xf32, #tpu.memory_space<vmem>> -> memref<1x128x128xf32, #tpu.memory_space<vmem>>
        %dma_wait3A_94 = tpu.memref_squeeze %dma_wait3A_93 : memref<1x128x128xf32, #tpu.memory_space<vmem>> -> memref<128x128xf32, #tpu.memory_space<vmem>>
        %dma_wait3A_95 = arith.constant 0 : i32
        %dma_wait3A_96 = tpu.memref_slice %arg8[%add3A_42, %dma_wait3A_95] : memref<40x128xi32, #tpu.memory_space<vmem>> -> memref<1x128xi32, #tpu.memory_space<vmem>>
        %dma_wait3A_97 = tpu.memref_squeeze %dma_wait3A_96 : memref<1x128xi32, #tpu.memory_space<vmem>> -> memref<128xi32, #tpu.memory_space<vmem>>
        %dma_wait3A_98 = arith.constant 0 : i32
        %dma_wait3A_99 = arith.constant 0 : i32
        %dma_wait3A_100 = tpu.memref_slice %arg10[%dma_wait3A_98, %dma_wait3A_99] : memref<10112x128xf32, #tpu.memory_space<vmem_shared>> -> memref<10112x128xf32, #tpu.memory_space<vmem_shared>>
        tpu.wait_indirect_dma semaphore(%run_scoped3A_80 : memref<!tpu.dma_semaphore, #tpu.memory_space<semaphore_mem>>) src(%dma_wait3A_94 : memref<128x128xf32, #tpu.memory_space<vmem>>) dst(%dma_wait3A_100 : memref<10112x128xf32, #tpu.memory_space<vmem_shared>>)
        tpu.yield
      }) : () -> ()
    }
    %scan3A_18 = arith.constant 20 : i32
    "tpu.region"() ({
      %run_scoped3A = tpu.sem_alloc : memref<!tpu.dma_semaphore, #tpu.memory_space<semaphore_mem>>
      %dma_start3A_38 = arith.constant 40 : i32
      %dma_start3A_39 = arith.constant 0 : i32
      %dma_start3A_40 = tpu.memref_slice %arg2[%add3A, %dma_start3A_38, %dma_start3A_39] : memref<32x80x128xi32, #tpu.memory_space<hbm>> -> memref<1x40x128xi32, #tpu.memory_space<hbm>>
      %dma_start3A_41 = tpu.memref_squeeze %dma_start3A_40 : memref<1x40x128xi32, #tpu.memory_space<hbm>> -> memref<40x128xi32, #tpu.memory_space<hbm>>
      %dma_start3A_42 = arith.constant 40 : i32
      %dma_start3A_43 = arith.constant 0 : i32
      %dma_start3A_44 = tpu.memref_slice %arg2[%add3A, %dma_start3A_42, %dma_start3A_43] : memref<32x80x128xi32, #tpu.memory_space<hbm>> -> memref<1x40x128xi32, #tpu.memory_space<hbm>>
      %dma_start3A_45 = tpu.memref_squeeze %dma_start3A_44 : memref<1x40x128xi32, #tpu.memory_space<hbm>> -> memref<40x128xi32, #tpu.memory_space<hbm>>
      tpu.enqueue_dma source(%dma_start3A_45 : memref<40x128xi32, #tpu.memory_space<hbm>>) target(%arg7 : memref<40x128xi32, #tpu.memory_space<vmem>>) target_semaphore(%run_scoped3A : memref<!tpu.dma_semaphore, #tpu.memory_space<semaphore_mem>>)
      %dma_wait3A = arith.constant 40 : i32
      %dma_wait3A_46 = arith.constant 0 : i32
      %dma_wait3A_47 = tpu.memref_slice %arg2[%add3A, %dma_wait3A, %dma_wait3A_46] : memref<32x80x128xi32, #tpu.memory_space<hbm>> -> memref<1x40x128xi32, #tpu.memory_space<hbm>>
      %dma_wait3A_48 = tpu.memref_squeeze %dma_wait3A_47 : memref<1x40x128xi32, #tpu.memory_space<hbm>> -> memref<40x128xi32, #tpu.memory_space<hbm>>
      %dma_wait3A_49 = arith.constant 40 : i32
      %dma_wait3A_50 = arith.constant 0 : i32
      %dma_wait3A_51 = tpu.memref_slice %arg2[%add3A, %dma_wait3A_49, %dma_wait3A_50] : memref<32x80x128xi32, #tpu.memory_space<hbm>> -> memref<1x40x128xi32, #tpu.memory_space<hbm>>
      %dma_wait3A_52 = tpu.memref_squeeze %dma_wait3A_51 : memref<1x40x128xi32, #tpu.memory_space<hbm>> -> memref<40x128xi32, #tpu.memory_space<hbm>>
      tpu.wait_dma2 semaphore(%run_scoped3A : memref<!tpu.dma_semaphore, #tpu.memory_space<semaphore_mem>>) src(%dma_wait3A_52 : memref<40x128xi32, #tpu.memory_space<hbm>>) dst(%arg7 : memref<40x128xi32, #tpu.memory_space<vmem>>)
      tpu.yield
    }) : () -> ()
    "tpu.region"() ({
      %run_scoped3A = tpu.sem_alloc : memref<!tpu.dma_semaphore, #tpu.memory_space<semaphore_mem>>
      %dma_start3A_38 = arith.constant 40 : i32
      %dma_start3A_39 = arith.constant 0 : i32
      %dma_start3A_40 = tpu.memref_slice %arg3[%add3A, %dma_start3A_38, %dma_start3A_39] : memref<32x80x128xi32, #tpu.memory_space<hbm>> -> memref<1x40x128xi32, #tpu.memory_space<hbm>>
      %dma_start3A_41 = tpu.memref_squeeze %dma_start3A_40 : memref<1x40x128xi32, #tpu.memory_space<hbm>> -> memref<40x128xi32, #tpu.memory_space<hbm>>
      %dma_start3A_42 = arith.constant 40 : i32
      %dma_start3A_43 = arith.constant 0 : i32
      %dma_start3A_44 = tpu.memref_slice %arg3[%add3A, %dma_start3A_42, %dma_start3A_43] : memref<32x80x128xi32, #tpu.memory_space<hbm>> -> memref<1x40x128xi32, #tpu.memory_space<hbm>>
      %dma_start3A_45 = tpu.memref_squeeze %dma_start3A_44 : memref<1x40x128xi32, #tpu.memory_space<hbm>> -> memref<40x128xi32, #tpu.memory_space<hbm>>
      tpu.enqueue_dma source(%dma_start3A_45 : memref<40x128xi32, #tpu.memory_space<hbm>>) target(%arg8 : memref<40x128xi32, #tpu.memory_space<vmem>>) target_semaphore(%run_scoped3A : memref<!tpu.dma_semaphore, #tpu.memory_space<semaphore_mem>>)
      %dma_wait3A = arith.constant 40 : i32
      %dma_wait3A_46 = arith.constant 0 : i32
      %dma_wait3A_47 = tpu.memref_slice %arg3[%add3A, %dma_wait3A, %dma_wait3A_46] : memref<32x80x128xi32, #tpu.memory_space<hbm>> -> memref<1x40x128xi32, #tpu.memory_space<hbm>>
      %dma_wait3A_48 = tpu.memref_squeeze %dma_wait3A_47 : memref<1x40x128xi32, #tpu.memory_space<hbm>> -> memref<40x128xi32, #tpu.memory_space<hbm>>
      %dma_wait3A_49 = arith.constant 40 : i32
      %dma_wait3A_50 = arith.constant 0 : i32
      %dma_wait3A_51 = tpu.memref_slice %arg3[%add3A, %dma_wait3A_49, %dma_wait3A_50] : memref<32x80x128xi32, #tpu.memory_space<hbm>> -> memref<1x40x128xi32, #tpu.memory_space<hbm>>
      %dma_wait3A_52 = tpu.memref_squeeze %dma_wait3A_51 : memref<1x40x128xi32, #tpu.memory_space<hbm>> -> memref<40x128xi32, #tpu.memory_space<hbm>>
      tpu.wait_dma2 semaphore(%run_scoped3A : memref<!tpu.dma_semaphore, #tpu.memory_space<semaphore_mem>>) src(%dma_wait3A_52 : memref<40x128xi32, #tpu.memory_space<hbm>>) dst(%arg8 : memref<40x128xi32, #tpu.memory_space<vmem>>)
      tpu.yield
    }) : () -> ()
    %dma_start3A_19 = arith.constant 0 : i32
    %dma_start3A_20 = arith.constant 0 : i32
    %dma_start3A_21 = arith.constant 0 : i32
    %dma_start3A_22 = arith.constant 0 : i32
    %dma_start3A_23 = tpu.memref_slice %arg9[%dma_start3A_20, %dma_start3A_21, %dma_start3A_22] : memref<2x128x128xf32, #tpu.memory_space<vmem>> -> memref<1x128x128xf32, #tpu.memory_space<vmem>>
    %dma_start3A_24 = tpu.memref_squeeze %dma_start3A_23 : memref<1x128x128xf32, #tpu.memory_space<vmem>> -> memref<128x128xf32, #tpu.memory_space<vmem>>
    %dma_start3A_25 = arith.constant 0 : i32
    %dma_start3A_26 = tpu.memref_slice %arg7[%dma_start3A_19, %dma_start3A_25] : memref<40x128xi32, #tpu.memory_space<vmem>> -> memref<1x128xi32, #tpu.memory_space<vmem>>
    %dma_start3A_27 = tpu.memref_squeeze %dma_start3A_26 : memref<1x128xi32, #tpu.memory_space<vmem>> -> memref<128xi32, #tpu.memory_space<vmem>>
    %dma_start3A_28 = arith.constant 0 : i32
    %dma_start3A_29 = arith.constant 0 : i32
    %dma_start3A_30 = tpu.memref_slice %arg4[%dma_start3A_28, %dma_start3A_29] : memref<10000x128xf32, #tpu.memory_space<hbm>> -> memref<10000x128xf32, #tpu.memory_space<hbm>>
    tpu.enqueue_indirect_dma source(%dma_start3A_30 : memref<10000x128xf32, #tpu.memory_space<hbm>>) target(%dma_start3A_24 : memref<128x128xf32, #tpu.memory_space<vmem>>) offsets(%dma_start3A_27 : memref<128xi32, #tpu.memory_space<vmem>>) semaphore(%arg11 : memref<!tpu.dma_semaphore, #tpu.memory_space<semaphore_mem>>)
    %scan3A_31 = arith.constant 0 : i32
    %scan3A_32 = arith.constant 0 : i32
    %scan3A_33 = arith.constant 20 : i32
    %scan3A_34 = arith.addi %scan3A_32, %scan3A_33 : i32
    %scan3A_35 = arith.constant 1 : i32
    scf.for %scan3A_38 = %scan3A_32 to %scan3A_34 step %scan3A_35  : i32 {
      %mul3A_39 = arith.constant 2 : i32
      %mul3A_40 = arith.muli %scan3A_38, %mul3A_39 : i32
      %add3A_41 = arith.constant 1 : i32
      %add3A_42 = arith.addi %mul3A_40, %add3A_41 : i32
      %dma_wait3A = arith.constant 0 : i32
      %dma_wait3A_43 = arith.constant 0 : i32
      %dma_wait3A_44 = arith.constant 0 : i32
      %dma_wait3A_45 = tpu.memref_slice %arg9[%dma_wait3A, %dma_wait3A_43, %dma_wait3A_44] : memref<2x128x128xf32, #tpu.memory_space<vmem>> -> memref<1x128x128xf32, #tpu.memory_space<vmem>>
      %dma_wait3A_46 = tpu.memref_squeeze %dma_wait3A_45 : memref<1x128x128xf32, #tpu.memory_space<vmem>> -> memref<128x128xf32, #tpu.memory_space<vmem>>
      %dma_wait3A_47 = arith.constant 0 : i32
      %dma_wait3A_48 = tpu.memref_slice %arg7[%mul3A_40, %dma_wait3A_47] : memref<40x128xi32, #tpu.memory_space<vmem>> -> memref<1x128xi32, #tpu.memory_space<vmem>>
      %dma_wait3A_49 = tpu.memref_squeeze %dma_wait3A_48 : memref<1x128xi32, #tpu.memory_space<vmem>> -> memref<128xi32, #tpu.memory_space<vmem>>
      %dma_wait3A_50 = arith.constant 0 : i32
      %dma_wait3A_51 = arith.constant 0 : i32
      %dma_wait3A_52 = tpu.memref_slice %arg4[%dma_wait3A_50, %dma_wait3A_51] : memref<10000x128xf32, #tpu.memory_space<hbm>> -> memref<10000x128xf32, #tpu.memory_space<hbm>>
      tpu.wait_indirect_dma semaphore(%arg11 : memref<!tpu.dma_semaphore, #tpu.memory_space<semaphore_mem>>) src(%dma_wait3A_52 : memref<10000x128xf32, #tpu.memory_space<hbm>>) dst(%dma_wait3A_46 : memref<128x128xf32, #tpu.memory_space<vmem>>)
      %dma_start3A_53 = arith.constant 1 : i32
      %dma_start3A_54 = arith.constant 0 : i32
      %dma_start3A_55 = arith.constant 0 : i32
      %dma_start3A_56 = tpu.memref_slice %arg9[%dma_start3A_53, %dma_start3A_54, %dma_start3A_55] : memref<2x128x128xf32, #tpu.memory_space<vmem>> -> memref<1x128x128xf32, #tpu.memory_space<vmem>>
      %dma_start3A_57 = tpu.memref_squeeze %dma_start3A_56 : memref<1x128x128xf32, #tpu.memory_space<vmem>> -> memref<128x128xf32, #tpu.memory_space<vmem>>
      %dma_start3A_58 = arith.constant 0 : i32
      %dma_start3A_59 = tpu.memref_slice %arg7[%add3A_42, %dma_start3A_58] : memref<40x128xi32, #tpu.memory_space<vmem>> -> memref<1x128xi32, #tpu.memory_space<vmem>>
      %dma_start3A_60 = tpu.memref_squeeze %dma_start3A_59 : memref<1x128xi32, #tpu.memory_space<vmem>> -> memref<128xi32, #tpu.memory_space<vmem>>
      %dma_start3A_61 = arith.constant 0 : i32
      %dma_start3A_62 = arith.constant 0 : i32
      %dma_start3A_63 = tpu.memref_slice %arg4[%dma_start3A_61, %dma_start3A_62] : memref<10000x128xf32, #tpu.memory_space<hbm>> -> memref<10000x128xf32, #tpu.memory_space<hbm>>
      tpu.enqueue_indirect_dma source(%dma_start3A_63 : memref<10000x128xf32, #tpu.memory_space<hbm>>) target(%dma_start3A_57 : memref<128x128xf32, #tpu.memory_space<vmem>>) offsets(%dma_start3A_60 : memref<128xi32, #tpu.memory_space<vmem>>) semaphore(%arg12 : memref<!tpu.dma_semaphore, #tpu.memory_space<semaphore_mem>>)
      %run_scoped3A = arith.constant 0 : i32
      "tpu.region"() ({
        %run_scoped3A_80 = tpu.sem_alloc : memref<!tpu.dma_semaphore, #tpu.memory_space<semaphore_mem>>
        %dma_start3A_81 = arith.constant 0 : i32
        %dma_start3A_82 = arith.constant 0 : i32
        %dma_start3A_83 = tpu.memref_slice %arg9[%run_scoped3A, %dma_start3A_81, %dma_start3A_82] : memref<2x128x128xf32, #tpu.memory_space<vmem>> -> memref<1x128x128xf32, #tpu.memory_space<vmem>>
        %dma_start3A_84 = tpu.memref_squeeze %dma_start3A_83 : memref<1x128x128xf32, #tpu.memory_space<vmem>> -> memref<128x128xf32, #tpu.memory_space<vmem>>
        %dma_start3A_85 = arith.constant 0 : i32
        %dma_start3A_86 = tpu.memref_slice %arg8[%mul3A_40, %dma_start3A_85] : memref<40x128xi32, #tpu.memory_space<vmem>> -> memref<1x128xi32, #tpu.memory_space<vmem>>
        %dma_start3A_87 = tpu.memref_squeeze %dma_start3A_86 : memref<1x128xi32, #tpu.memory_space<vmem>> -> memref<128xi32, #tpu.memory_space<vmem>>
        %dma_start3A_88 = arith.constant 0 : i32
        %dma_start3A_89 = arith.constant 0 : i32
        %dma_start3A_90 = tpu.memref_slice %arg10[%dma_start3A_88, %dma_start3A_89] : memref<10112x128xf32, #tpu.memory_space<vmem_shared>> -> memref<10112x128xf32, #tpu.memory_space<vmem_shared>>
        tpu.enqueue_indirect_dma source(%dma_start3A_84 : memref<128x128xf32, #tpu.memory_space<vmem>>) target(%dma_start3A_90 : memref<10112x128xf32, #tpu.memory_space<vmem_shared>>) offsets(%dma_start3A_87 : memref<128xi32, #tpu.memory_space<vmem>>) semaphore(%run_scoped3A_80 : memref<!tpu.dma_semaphore, #tpu.memory_space<semaphore_mem>>) {add = true}
        %dma_wait3A_91 = arith.constant 0 : i32
        %dma_wait3A_92 = arith.constant 0 : i32
        %dma_wait3A_93 = tpu.memref_slice %arg9[%run_scoped3A, %dma_wait3A_91, %dma_wait3A_92] : memref<2x128x128xf32, #tpu.memory_space<vmem>> -> memref<1x128x128xf32, #tpu.memory_space<vmem>>
        %dma_wait3A_94 = tpu.memref_squeeze %dma_wait3A_93 : memref<1x128x128xf32, #tpu.memory_space<vmem>> -> memref<128x128xf32, #tpu.memory_space<vmem>>
        %dma_wait3A_95 = arith.constant 0 : i32
        %dma_wait3A_96 = tpu.memref_slice %arg8[%mul3A_40, %dma_wait3A_95] : memref<40x128xi32, #tpu.memory_space<vmem>> -> memref<1x128xi32, #tpu.memory_space<vmem>>
        %dma_wait3A_97 = tpu.memref_squeeze %dma_wait3A_96 : memref<1x128xi32, #tpu.memory_space<vmem>> -> memref<128xi32, #tpu.memory_space<vmem>>
        %dma_wait3A_98 = arith.constant 0 : i32
        %dma_wait3A_99 = arith.constant 0 : i32
        %dma_wait3A_100 = tpu.memref_slice %arg10[%dma_wait3A_98, %dma_wait3A_99] : memref<10112x128xf32, #tpu.memory_space<vmem_shared>> -> memref<10112x128xf32, #tpu.memory_space<vmem_shared>>
        tpu.wait_indirect_dma semaphore(%run_scoped3A_80 : memref<!tpu.dma_semaphore, #tpu.memory_space<semaphore_mem>>) src(%dma_wait3A_94 : memref<128x128xf32, #tpu.memory_space<vmem>>) dst(%dma_wait3A_100 : memref<10112x128xf32, #tpu.memory_space<vmem_shared>>)
        tpu.yield
      }) : () -> ()
      %dma_wait3A_64 = arith.constant 1 : i32
      %dma_wait3A_65 = arith.constant 0 : i32
      %dma_wait3A_66 = arith.constant 0 : i32
      %dma_wait3A_67 = tpu.memref_slice %arg9[%dma_wait3A_64, %dma_wait3A_65, %dma_wait3A_66] : memref<2x128x128xf32, #tpu.memory_space<vmem>> -> memref<1x128x128xf32, #tpu.memory_space<vmem>>
      %dma_wait3A_68 = tpu.memref_squeeze %dma_wait3A_67 : memref<1x128x128xf32, #tpu.memory_space<vmem>> -> memref<128x128xf32, #tpu.memory_space<vmem>>
      %dma_wait3A_69 = arith.constant 0 : i32
      %dma_wait3A_70 = tpu.memref_slice %arg7[%add3A_42, %dma_wait3A_69] : memref<40x128xi32, #tpu.memory_space<vmem>> -> memref<1x128xi32, #tpu.memory_space<vmem>>
      %dma_wait3A_71 = tpu.memref_squeeze %dma_wait3A_70 : memref<1x128xi32, #tpu.memory_space<vmem>> -> memref<128xi32, #tpu.memory_space<vmem>>
      %dma_wait3A_72 = arith.constant 0 : i32
      %dma_wait3A_73 = arith.constant 0 : i32
      %dma_wait3A_74 = tpu.memref_slice %arg4[%dma_wait3A_72, %dma_wait3A_73] : memref<10000x128xf32, #tpu.memory_space<hbm>> -> memref<10000x128xf32, #tpu.memory_space<hbm>>
      tpu.wait_indirect_dma semaphore(%arg12 : memref<!tpu.dma_semaphore, #tpu.memory_space<semaphore_mem>>) src(%dma_wait3A_74 : memref<10000x128xf32, #tpu.memory_space<hbm>>) dst(%dma_wait3A_68 : memref<128x128xf32, #tpu.memory_space<vmem>>)
      %add3A_75 = arith.constant 1 : i32
      %add3A_76 = arith.addi %add3A_42, %add3A_75 : i32
      %lt3A = arith.constant 40 : i32
      %lt3A_77 = arith.cmpi slt, %add3A_76, %lt3A : i32
      %convert_element_type3A = arith.extui %lt3A_77 : i1 to i32
      %cond3A = arith.constant 0 : i32
      %cond3A_78 = arith.cmpi ne, %convert_element_type3A, %cond3A : i32
      scf.if %cond3A_78 {
        %add3A_80 = arith.constant 2 : i32
        %add3A_81 = arith.addi %mul3A_40, %add3A_80 : i32
        %dma_start3A_82 = arith.constant 0 : i32
        %dma_start3A_83 = arith.constant 0 : i32
        %dma_start3A_84 = arith.constant 0 : i32
        %dma_start3A_85 = tpu.memref_slice %arg9[%dma_start3A_82, %dma_start3A_83, %dma_start3A_84] : memref<2x128x128xf32, #tpu.memory_space<vmem>> -> memref<1x128x128xf32, #tpu.memory_space<vmem>>
        %dma_start3A_86 = tpu.memref_squeeze %dma_start3A_85 : memref<1x128x128xf32, #tpu.memory_space<vmem>> -> memref<128x128xf32, #tpu.memory_space<vmem>>
        %dma_start3A_87 = arith.constant 0 : i32
        %dma_start3A_88 = tpu.memref_slice %arg7[%add3A_81, %dma_start3A_87] : memref<40x128xi32, #tpu.memory_space<vmem>> -> memref<1x128xi32, #tpu.memory_space<vmem>>
        %dma_start3A_89 = tpu.memref_squeeze %dma_start3A_88 : memref<1x128xi32, #tpu.memory_space<vmem>> -> memref<128xi32, #tpu.memory_space<vmem>>
        %dma_start3A_90 = arith.constant 0 : i32
        %dma_start3A_91 = arith.constant 0 : i32
        %dma_start3A_92 = tpu.memref_slice %arg4[%dma_start3A_90, %dma_start3A_91] : memref<10000x128xf32, #tpu.memory_space<hbm>> -> memref<10000x128xf32, #tpu.memory_space<hbm>>
        tpu.enqueue_indirect_dma source(%dma_start3A_92 : memref<10000x128xf32, #tpu.memory_space<hbm>>) target(%dma_start3A_86 : memref<128x128xf32, #tpu.memory_space<vmem>>) offsets(%dma_start3A_89 : memref<128xi32, #tpu.memory_space<vmem>>) semaphore(%arg11 : memref<!tpu.dma_semaphore, #tpu.memory_space<semaphore_mem>>)
      } else {
      }
      %run_scoped3A_79 = arith.constant 1 : i32
      "tpu.region"() ({
        %run_scoped3A_80 = tpu.sem_alloc : memref<!tpu.dma_semaphore, #tpu.memory_space<semaphore_mem>>
        %dma_start3A_81 = arith.constant 0 : i32
        %dma_start3A_82 = arith.constant 0 : i32
        %dma_start3A_83 = tpu.memref_slice %arg9[%run_scoped3A_79, %dma_start3A_81, %dma_start3A_82] : memref<2x128x128xf32, #tpu.memory_space<vmem>> -> memref<1x128x128xf32, #tpu.memory_space<vmem>>
        %dma_start3A_84 = tpu.memref_squeeze %dma_start3A_83 : memref<1x128x128xf32, #tpu.memory_space<vmem>> -> memref<128x128xf32, #tpu.memory_space<vmem>>
        %dma_start3A_85 = arith.constant 0 : i32
        %dma_start3A_86 = tpu.memref_slice %arg8[%add3A_42, %dma_start3A_85] : memref<40x128xi32, #tpu.memory_space<vmem>> -> memref<1x128xi32, #tpu.memory_space<vmem>>
        %dma_start3A_87 = tpu.memref_squeeze %dma_start3A_86 : memref<1x128xi32, #tpu.memory_space<vmem>> -> memref<128xi32, #tpu.memory_space<vmem>>
        %dma_start3A_88 = arith.constant 0 : i32
        %dma_start3A_89 = arith.constant 0 : i32
        %dma_start3A_90 = tpu.memref_slice %arg10[%dma_start3A_88, %dma_start3A_89] : memref<10112x128xf32, #tpu.memory_space<vmem_shared>> -> memref<10112x128xf32, #tpu.memory_space<vmem_shared>>
        tpu.enqueue_indirect_dma source(%dma_start3A_84 : memref<128x128xf32, #tpu.memory_space<vmem>>) target(%dma_start3A_90 : memref<10112x128xf32, #tpu.memory_space<vmem_shared>>) offsets(%dma_start3A_87 : memref<128xi32, #tpu.memory_space<vmem>>) semaphore(%run_scoped3A_80 : memref<!tpu.dma_semaphore, #tpu.memory_space<semaphore_mem>>) {add = true}
        %dma_wait3A_91 = arith.constant 0 : i32
        %dma_wait3A_92 = arith.constant 0 : i32
        %dma_wait3A_93 = tpu.memref_slice %arg9[%run_scoped3A_79, %dma_wait3A_91, %dma_wait3A_92] : memref<2x128x128xf32, #tpu.memory_space<vmem>> -> memref<1x128x128xf32, #tpu.memory_space<vmem>>
        %dma_wait3A_94 = tpu.memref_squeeze %dma_wait3A_93 : memref<1x128x128xf32, #tpu.memory_space<vmem>> -> memref<128x128xf32, #tpu.memory_space<vmem>>
        %dma_wait3A_95 = arith.constant 0 : i32
        %dma_wait3A_96 = tpu.memref_slice %arg8[%add3A_42, %dma_wait3A_95] : memref<40x128xi32, #tpu.memory_space<vmem>> -> memref<1x128xi32, #tpu.memory_space<vmem>>
        %dma_wait3A_97 = tpu.memref_squeeze %dma_wait3A_96 : memref<1x128xi32, #tpu.memory_space<vmem>> -> memref<128xi32, #tpu.memory_space<vmem>>
        %dma_wait3A_98 = arith.constant 0 : i32
        %dma_wait3A_99 = arith.constant 0 : i32
        %dma_wait3A_100 = tpu.memref_slice %arg10[%dma_wait3A_98, %dma_wait3A_99] : memref<10112x128xf32, #tpu.memory_space<vmem_shared>> -> memref<10112x128xf32, #tpu.memory_space<vmem_shared>>
        tpu.wait_indirect_dma semaphore(%run_scoped3A_80 : memref<!tpu.dma_semaphore, #tpu.memory_space<semaphore_mem>>) src(%dma_wait3A_94 : memref<128x128xf32, #tpu.memory_space<vmem>>) dst(%dma_wait3A_100 : memref<10112x128xf32, #tpu.memory_space<vmem_shared>>)
        tpu.yield
      }) : () -> ()
    }
    %scan3A_36 = arith.constant 20 : i32
    %barrier3A_37 = arith.constant 0 : index
    tpu.barrier barrier_id(%barrier3A_37)
    "tpu.region"() ({
      %run_scoped3A = tpu.sem_alloc : memref<!tpu.dma_semaphore, #tpu.memory_space<semaphore_mem>>
      %dma_start3A_38 = arith.constant 0 : i32
      %dma_start3A_39 = tpu.memref_slice %arg6[%arg0, %multiple_of3A, %dma_start3A_38] : memref<2x10112x128xf32, #tpu.memory_space<hbm>> -> memref<1x632x128xf32, #tpu.memory_space<hbm>>
      %dma_start3A_40 = tpu.memref_squeeze %dma_start3A_39 : memref<1x632x128xf32, #tpu.memory_space<hbm>> -> memref<632x128xf32, #tpu.memory_space<hbm>>
      %dma_start3A_41 = arith.constant 0 : i32
      %dma_start3A_42 = tpu.memref_slice %arg10[%multiple_of3A, %dma_start3A_41] : memref<10112x128xf32, #tpu.memory_space<vmem_shared>> -> memref<632x128xf32, #tpu.memory_space<vmem_shared>>
      tpu.enqueue_dma source(%dma_start3A_42 : memref<632x128xf32, #tpu.memory_space<vmem_shared>>) target(%dma_start3A_40 : memref<632x128xf32, #tpu.memory_space<hbm>>) target_semaphore(%run_scoped3A : memref<!tpu.dma_semaphore, #tpu.memory_space<semaphore_mem>>)
      %dma_wait3A = arith.constant 0 : i32
      %dma_wait3A_43 = tpu.memref_slice %arg6[%arg0, %multiple_of3A, %dma_wait3A] : memref<2x10112x128xf32, #tpu.memory_space<hbm>> -> memref<1x632x128xf32, #tpu.memory_space<hbm>>
      %dma_wait3A_44 = tpu.memref_squeeze %dma_wait3A_43 : memref<1x632x128xf32, #tpu.memory_space<hbm>> -> memref<632x128xf32, #tpu.memory_space<hbm>>
      %dma_wait3A_45 = arith.constant 0 : i32
      %dma_wait3A_46 = tpu.memref_slice %arg10[%multiple_of3A, %dma_wait3A_45] : memref<10112x128xf32, #tpu.memory_space<vmem_shared>> -> memref<632x128xf32, #tpu.memory_space<vmem_shared>>
      tpu.wait_dma2 semaphore(%run_scoped3A : memref<!tpu.dma_semaphore, #tpu.memory_space<semaphore_mem>>) src(%dma_wait3A_46 : memref<632x128xf32, #tpu.memory_space<vmem_shared>>) dst(%dma_wait3A_44 : memref<632x128xf32, #tpu.memory_space<hbm>>)
      tpu.yield
    }) : () -> ()
    return
  }
}

#map = affine_map<(d0, d1) -> (0, 0, 0)>
#map1 = affine_map<(d0, d1) -> (0, 0)>
module attributes {stable_mosaic.version = 14 : i64} {
  func.func @_agg_body(%arg0: i32, %arg1: i32, %arg2: memref<32x80x128xi32, #tpu.memory_space<hbm>>, %arg3: memref<32x80x128xi32, #tpu.memory_space<hbm>>, %arg4: memref<10000x128xf32, #tpu.memory_space<hbm>>, %arg5: memref<10112x128xf32, #tpu.memory_space<hbm>>, %arg6: memref<2x10112x128xf32, #tpu.memory_space<hbm>>, %arg7: memref<40x128xi32, #tpu.memory_space<vmem>>, %arg8: memref<40x128xi32, #tpu.memory_space<vmem>>, %arg9: memref<2x128x128xf32, #tpu.memory_space<vmem>>, %arg10: memref<10112x128xf32, #tpu.memory_space<vmem_shared>>, %arg11: memref<!tpu.dma_semaphore, #tpu.memory_space<semaphore_mem>>, %arg12: memref<!tpu.dma_semaphore, #tpu.memory_space<semaphore_mem>>) attributes {dimension_semantics = [#tpu.dimension_semantics<core_parallel>, #tpu.dimension_semantics<subcore_parallel>], iteration_bounds = array<i64: 2, 16>, scalar_prefetch = 0 : i64, scratch_operands = 6 : i64, tpu.core_type = #tpu.core_type<sc_vector_subcore>, window_params = [{transform_indices = #map}, {transform_indices = #map}, {transform_indices = #map1}, {transform_indices = #map1}, {transform_indices = #map}]} {
    %mul3A = arith.constant 16 : i32
    %mul3A_0 = arith.muli %arg0, %mul3A : i32
    %add3A = arith.addi %mul3A_0, %arg1 : i32
    %mul3A_1 = arith.constant 632 : i32
    %mul3A_2 = arith.muli %arg1, %mul3A_1 : i32
    %multiple_of3A = tpu.assume_multiple %mul3A_2, 8 : i32
    "tpu.region"() ({
      %run_scoped3A = tpu.sem_alloc : memref<!tpu.dma_semaphore, #tpu.memory_space<semaphore_mem>>
      %dma_start3A_38 = arith.constant 0 : i32
      %dma_start3A_39 = arith.constant 0 : i32
      %dma_start3A_40 = tpu.memref_slice %arg2[%add3A, %dma_start3A_38, %dma_start3A_39] : memref<32x80x128xi32, #tpu.memory_space<hbm>> -> memref<1x40x128xi32, #tpu.memory_space<hbm>>
      %dma_start3A_41 = tpu.memref_squeeze %dma_start3A_40 : memref<1x40x128xi32, #tpu.memory_space<hbm>> -> memref<40x128xi32, #tpu.memory_space<hbm>>
      %dma_start3A_42 = arith.constant 0 : i32
      %dma_start3A_43 = arith.constant 0 : i32
      %dma_start3A_44 = tpu.memref_slice %arg2[%add3A, %dma_start3A_42, %dma_start3A_43] : memref<32x80x128xi32, #tpu.memory_space<hbm>> -> memref<1x40x128xi32, #tpu.memory_space<hbm>>
      %dma_start3A_45 = tpu.memref_squeeze %dma_start3A_44 : memref<1x40x128xi32, #tpu.memory_space<hbm>> -> memref<40x128xi32, #tpu.memory_space<hbm>>
      tpu.enqueue_dma source(%dma_start3A_45 : memref<40x128xi32, #tpu.memory_space<hbm>>) target(%arg7 : memref<40x128xi32, #tpu.memory_space<vmem>>) target_semaphore(%run_scoped3A : memref<!tpu.dma_semaphore, #tpu.memory_space<semaphore_mem>>)
      %dma_wait3A = arith.constant 0 : i32
      %dma_wait3A_46 = arith.constant 0 : i32
      %dma_wait3A_47 = tpu.memref_slice %arg2[%add3A, %dma_wait3A, %dma_wait3A_46] : memref<32x80x128xi32, #tpu.memory_space<hbm>> -> memref<1x40x128xi32, #tpu.memory_space<hbm>>
      %dma_wait3A_48 = tpu.memref_squeeze %dma_wait3A_47 : memref<1x40x128xi32, #tpu.memory_space<hbm>> -> memref<40x128xi32, #tpu.memory_space<hbm>>
      %dma_wait3A_49 = arith.constant 0 : i32
      %dma_wait3A_50 = arith.constant 0 : i32
      %dma_wait3A_51 = tpu.memref_slice %arg2[%add3A, %dma_wait3A_49, %dma_wait3A_50] : memref<32x80x128xi32, #tpu.memory_space<hbm>> -> memref<1x40x128xi32, #tpu.memory_space<hbm>>
      %dma_wait3A_52 = tpu.memref_squeeze %dma_wait3A_51 : memref<1x40x128xi32, #tpu.memory_space<hbm>> -> memref<40x128xi32, #tpu.memory_space<hbm>>
      tpu.wait_dma2 semaphore(%run_scoped3A : memref<!tpu.dma_semaphore, #tpu.memory_space<semaphore_mem>>) src(%dma_wait3A_52 : memref<40x128xi32, #tpu.memory_space<hbm>>) dst(%arg7 : memref<40x128xi32, #tpu.memory_space<vmem>>)
      tpu.yield
    }) : () -> ()
    "tpu.region"() ({
      %run_scoped3A = tpu.sem_alloc : memref<!tpu.dma_semaphore, #tpu.memory_space<semaphore_mem>>
      %dma_start3A_38 = arith.constant 0 : i32
      %dma_start3A_39 = arith.constant 0 : i32
      %dma_start3A_40 = tpu.memref_slice %arg3[%add3A, %dma_start3A_38, %dma_start3A_39] : memref<32x80x128xi32, #tpu.memory_space<hbm>> -> memref<1x40x128xi32, #tpu.memory_space<hbm>>
      %dma_start3A_41 = tpu.memref_squeeze %dma_start3A_40 : memref<1x40x128xi32, #tpu.memory_space<hbm>> -> memref<40x128xi32, #tpu.memory_space<hbm>>
      %dma_start3A_42 = arith.constant 0 : i32
      %dma_start3A_43 = arith.constant 0 : i32
      %dma_start3A_44 = tpu.memref_slice %arg3[%add3A, %dma_start3A_42, %dma_start3A_43] : memref<32x80x128xi32, #tpu.memory_space<hbm>> -> memref<1x40x128xi32, #tpu.memory_space<hbm>>
      %dma_start3A_45 = tpu.memref_squeeze %dma_start3A_44 : memref<1x40x128xi32, #tpu.memory_space<hbm>> -> memref<40x128xi32, #tpu.memory_space<hbm>>
      tpu.enqueue_dma source(%dma_start3A_45 : memref<40x128xi32, #tpu.memory_space<hbm>>) target(%arg8 : memref<40x128xi32, #tpu.memory_space<vmem>>) target_semaphore(%run_scoped3A : memref<!tpu.dma_semaphore, #tpu.memory_space<semaphore_mem>>)
      %dma_wait3A = arith.constant 0 : i32
      %dma_wait3A_46 = arith.constant 0 : i32
      %dma_wait3A_47 = tpu.memref_slice %arg3[%add3A, %dma_wait3A, %dma_wait3A_46] : memref<32x80x128xi32, #tpu.memory_space<hbm>> -> memref<1x40x128xi32, #tpu.memory_space<hbm>>
      %dma_wait3A_48 = tpu.memref_squeeze %dma_wait3A_47 : memref<1x40x128xi32, #tpu.memory_space<hbm>> -> memref<40x128xi32, #tpu.memory_space<hbm>>
      %dma_wait3A_49 = arith.constant 0 : i32
      %dma_wait3A_50 = arith.constant 0 : i32
      %dma_wait3A_51 = tpu.memref_slice %arg3[%add3A, %dma_wait3A_49, %dma_wait3A_50] : memref<32x80x128xi32, #tpu.memory_space<hbm>> -> memref<1x40x128xi32, #tpu.memory_space<hbm>>
      %dma_wait3A_52 = tpu.memref_squeeze %dma_wait3A_51 : memref<1x40x128xi32, #tpu.memory_space<hbm>> -> memref<40x128xi32, #tpu.memory_space<hbm>>
      tpu.wait_dma2 semaphore(%run_scoped3A : memref<!tpu.dma_semaphore, #tpu.memory_space<semaphore_mem>>) src(%dma_wait3A_52 : memref<40x128xi32, #tpu.memory_space<hbm>>) dst(%arg8 : memref<40x128xi32, #tpu.memory_space<vmem>>)
      tpu.yield
    }) : () -> ()
    %dma_start3A = arith.constant 0 : i32
    %dma_start3A_3 = arith.constant 0 : i32
    %dma_start3A_4 = arith.constant 0 : i32
    %dma_start3A_5 = arith.constant 0 : i32
    %dma_start3A_6 = tpu.memref_slice %arg9[%dma_start3A_3, %dma_start3A_4, %dma_start3A_5] : memref<2x128x128xf32, #tpu.memory_space<vmem>> -> memref<1x128x128xf32, #tpu.memory_space<vmem>>
    %dma_start3A_7 = tpu.memref_squeeze %dma_start3A_6 : memref<1x128x128xf32, #tpu.memory_space<vmem>> -> memref<128x128xf32, #tpu.memory_space<vmem>>
    %dma_start3A_8 = arith.constant 0 : i32
    %dma_start3A_9 = tpu.memref_slice %arg7[%dma_start3A, %dma_start3A_8] : memref<40x128xi32, #tpu.memory_space<vmem>> -> memref<1x128xi32, #tpu.memory_space<vmem>>
    %dma_start3A_10 = tpu.memref_squeeze %dma_start3A_9 : memref<1x128xi32, #tpu.memory_space<vmem>> -> memref<128xi32, #tpu.memory_space<vmem>>
    %dma_start3A_11 = arith.constant 0 : i32
    %dma_start3A_12 = arith.constant 0 : i32
    %dma_start3A_13 = tpu.memref_slice %arg4[%dma_start3A_11, %dma_start3A_12] : memref<10000x128xf32, #tpu.memory_space<hbm>> -> memref<10000x128xf32, #tpu.memory_space<hbm>>
    tpu.enqueue_indirect_dma source(%dma_start3A_13 : memref<10000x128xf32, #tpu.memory_space<hbm>>) target(%dma_start3A_7 : memref<128x128xf32, #tpu.memory_space<vmem>>) offsets(%dma_start3A_10 : memref<128xi32, #tpu.memory_space<vmem>>) semaphore(%arg11 : memref<!tpu.dma_semaphore, #tpu.memory_space<semaphore_mem>>)
    "tpu.region"() ({
      %run_scoped3A = tpu.sem_alloc : memref<!tpu.dma_semaphore, #tpu.memory_space<semaphore_mem>>
      %dma_start3A_38 = arith.constant 0 : i32
      %dma_start3A_39 = tpu.memref_slice %arg10[%multiple_of3A, %dma_start3A_38] : memref<10112x128xf32, #tpu.memory_space<vmem_shared>> -> memref<632x128xf32, #tpu.memory_space<vmem_shared>>
      %dma_start3A_40 = arith.constant 0 : i32
      %dma_start3A_41 = tpu.memref_slice %arg5[%multiple_of3A, %dma_start3A_40] : memref<10112x128xf32, #tpu.memory_space<hbm>> -> memref<632x128xf32, #tpu.memory_space<hbm>>
      tpu.enqueue_dma source(%dma_start3A_41 : memref<632x128xf32, #tpu.memory_space<hbm>>) target(%dma_start3A_39 : memref<632x128xf32, #tpu.memory_space<vmem_shared>>) target_semaphore(%run_scoped3A : memref<!tpu.dma_semaphore, #tpu.memory_space<semaphore_mem>>)
      %dma_wait3A = arith.constant 0 : i32
      %dma_wait3A_42 = tpu.memref_slice %arg10[%multiple_of3A, %dma_wait3A] : memref<10112x128xf32, #tpu.memory_space<vmem_shared>> -> memref<632x128xf32, #tpu.memory_space<vmem_shared>>
      %dma_wait3A_43 = arith.constant 0 : i32
      %dma_wait3A_44 = tpu.memref_slice %arg5[%multiple_of3A, %dma_wait3A_43] : memref<10112x128xf32, #tpu.memory_space<hbm>> -> memref<632x128xf32, #tpu.memory_space<hbm>>
      tpu.wait_dma2 semaphore(%run_scoped3A : memref<!tpu.dma_semaphore, #tpu.memory_space<semaphore_mem>>) src(%dma_wait3A_44 : memref<632x128xf32, #tpu.memory_space<hbm>>) dst(%dma_wait3A_42 : memref<632x128xf32, #tpu.memory_space<vmem_shared>>)
      tpu.yield
    }) : () -> ()
    %barrier3A = arith.constant 0 : index
    tpu.barrier barrier_id(%barrier3A)
    %scan3A = arith.constant 0 : i32
    %scan3A_14 = arith.constant 0 : i32
    %scan3A_15 = arith.constant 20 : i32
    %scan3A_16 = arith.addi %scan3A_14, %scan3A_15 : i32
    %scan3A_17 = arith.constant 1 : i32
    scf.for %scan3A_38 = %scan3A_14 to %scan3A_16 step %scan3A_17  : i32 {
      %mul3A_39 = arith.constant 2 : i32
      %mul3A_40 = arith.muli %scan3A_38, %mul3A_39 : i32
      %add3A_41 = arith.constant 1 : i32
      %add3A_42 = arith.addi %mul3A_40, %add3A_41 : i32
      %dma_wait3A = arith.constant 0 : i32
      %dma_wait3A_43 = arith.constant 0 : i32
      %dma_wait3A_44 = arith.constant 0 : i32
      %dma_wait3A_45 = tpu.memref_slice %arg9[%dma_wait3A, %dma_wait3A_43, %dma_wait3A_44] : memref<2x128x128xf32, #tpu.memory_space<vmem>> -> memref<1x128x128xf32, #tpu.memory_space<vmem>>
      %dma_wait3A_46 = tpu.memref_squeeze %dma_wait3A_45 : memref<1x128x128xf32, #tpu.memory_space<vmem>> -> memref<128x128xf32, #tpu.memory_space<vmem>>
      %dma_wait3A_47 = arith.constant 0 : i32
      %dma_wait3A_48 = tpu.memref_slice %arg7[%mul3A_40, %dma_wait3A_47] : memref<40x128xi32, #tpu.memory_space<vmem>> -> memref<1x128xi32, #tpu.memory_space<vmem>>
      %dma_wait3A_49 = tpu.memref_squeeze %dma_wait3A_48 : memref<1x128xi32, #tpu.memory_space<vmem>> -> memref<128xi32, #tpu.memory_space<vmem>>
      %dma_wait3A_50 = arith.constant 0 : i32
      %dma_wait3A_51 = arith.constant 0 : i32
      %dma_wait3A_52 = tpu.memref_slice %arg4[%dma_wait3A_50, %dma_wait3A_51] : memref<10000x128xf32, #tpu.memory_space<hbm>> -> memref<10000x128xf32, #tpu.memory_space<hbm>>
      tpu.wait_indirect_dma semaphore(%arg11 : memref<!tpu.dma_semaphore, #tpu.memory_space<semaphore_mem>>) src(%dma_wait3A_52 : memref<10000x128xf32, #tpu.memory_space<hbm>>) dst(%dma_wait3A_46 : memref<128x128xf32, #tpu.memory_space<vmem>>)
      %dma_start3A_53 = arith.constant 1 : i32
      %dma_start3A_54 = arith.constant 0 : i32
      %dma_start3A_55 = arith.constant 0 : i32
      %dma_start3A_56 = tpu.memref_slice %arg9[%dma_start3A_53, %dma_start3A_54, %dma_start3A_55] : memref<2x128x128xf32, #tpu.memory_space<vmem>> -> memref<1x128x128xf32, #tpu.memory_space<vmem>>
      %dma_start3A_57 = tpu.memref_squeeze %dma_start3A_56 : memref<1x128x128xf32, #tpu.memory_space<vmem>> -> memref<128x128xf32, #tpu.memory_space<vmem>>
      %dma_start3A_58 = arith.constant 0 : i32
      %dma_start3A_59 = tpu.memref_slice %arg7[%add3A_42, %dma_start3A_58] : memref<40x128xi32, #tpu.memory_space<vmem>> -> memref<1x128xi32, #tpu.memory_space<vmem>>
      %dma_start3A_60 = tpu.memref_squeeze %dma_start3A_59 : memref<1x128xi32, #tpu.memory_space<vmem>> -> memref<128xi32, #tpu.memory_space<vmem>>
      %dma_start3A_61 = arith.constant 0 : i32
      %dma_start3A_62 = arith.constant 0 : i32
      %dma_start3A_63 = tpu.memref_slice %arg4[%dma_start3A_61, %dma_start3A_62] : memref<10000x128xf32, #tpu.memory_space<hbm>> -> memref<10000x128xf32, #tpu.memory_space<hbm>>
      tpu.enqueue_indirect_dma source(%dma_start3A_63 : memref<10000x128xf32, #tpu.memory_space<hbm>>) target(%dma_start3A_57 : memref<128x128xf32, #tpu.memory_space<vmem>>) offsets(%dma_start3A_60 : memref<128xi32, #tpu.memory_space<vmem>>) semaphore(%arg12 : memref<!tpu.dma_semaphore, #tpu.memory_space<semaphore_mem>>)
      %run_scoped3A = arith.constant 0 : i32
      "tpu.region"() ({
        %run_scoped3A_80 = tpu.sem_alloc : memref<!tpu.dma_semaphore, #tpu.memory_space<semaphore_mem>>
        %dma_start3A_81 = arith.constant 0 : i32
        %dma_start3A_82 = arith.constant 0 : i32
        %dma_start3A_83 = tpu.memref_slice %arg9[%run_scoped3A, %dma_start3A_81, %dma_start3A_82] : memref<2x128x128xf32, #tpu.memory_space<vmem>> -> memref<1x128x128xf32, #tpu.memory_space<vmem>>
        %dma_start3A_84 = tpu.memref_squeeze %dma_start3A_83 : memref<1x128x128xf32, #tpu.memory_space<vmem>> -> memref<128x128xf32, #tpu.memory_space<vmem>>
        %dma_start3A_85 = arith.constant 0 : i32
        %dma_start3A_86 = tpu.memref_slice %arg8[%mul3A_40, %dma_start3A_85] : memref<40x128xi32, #tpu.memory_space<vmem>> -> memref<1x128xi32, #tpu.memory_space<vmem>>
        %dma_start3A_87 = tpu.memref_squeeze %dma_start3A_86 : memref<1x128xi32, #tpu.memory_space<vmem>> -> memref<128xi32, #tpu.memory_space<vmem>>
        %dma_start3A_88 = arith.constant 0 : i32
        %dma_start3A_89 = arith.constant 0 : i32
        %dma_start3A_90 = tpu.memref_slice %arg10[%dma_start3A_88, %dma_start3A_89] : memref<10112x128xf32, #tpu.memory_space<vmem_shared>> -> memref<10112x128xf32, #tpu.memory_space<vmem_shared>>
        tpu.enqueue_indirect_dma source(%dma_start3A_84 : memref<128x128xf32, #tpu.memory_space<vmem>>) target(%dma_start3A_90 : memref<10112x128xf32, #tpu.memory_space<vmem_shared>>) offsets(%dma_start3A_87 : memref<128xi32, #tpu.memory_space<vmem>>) semaphore(%run_scoped3A_80 : memref<!tpu.dma_semaphore, #tpu.memory_space<semaphore_mem>>) {add = true}
        %dma_wait3A_91 = arith.constant 0 : i32
        %dma_wait3A_92 = arith.constant 0 : i32
        %dma_wait3A_93 = tpu.memref_slice %arg9[%run_scoped3A, %dma_wait3A_91, %dma_wait3A_92] : memref<2x128x128xf32, #tpu.memory_space<vmem>> -> memref<1x128x128xf32, #tpu.memory_space<vmem>>
        %dma_wait3A_94 = tpu.memref_squeeze %dma_wait3A_93 : memref<1x128x128xf32, #tpu.memory_space<vmem>> -> memref<128x128xf32, #tpu.memory_space<vmem>>
        %dma_wait3A_95 = arith.constant 0 : i32
        %dma_wait3A_96 = tpu.memref_slice %arg8[%mul3A_40, %dma_wait3A_95] : memref<40x128xi32, #tpu.memory_space<vmem>> -> memref<1x128xi32, #tpu.memory_space<vmem>>
        %dma_wait3A_97 = tpu.memref_squeeze %dma_wait3A_96 : memref<1x128xi32, #tpu.memory_space<vmem>> -> memref<128xi32, #tpu.memory_space<vmem>>
        %dma_wait3A_98 = arith.constant 0 : i32
        %dma_wait3A_99 = arith.constant 0 : i32
        %dma_wait3A_100 = tpu.memref_slice %arg10[%dma_wait3A_98, %dma_wait3A_99] : memref<10112x128xf32, #tpu.memory_space<vmem_shared>> -> memref<10112x128xf32, #tpu.memory_space<vmem_shared>>
        tpu.wait_indirect_dma semaphore(%run_scoped3A_80 : memref<!tpu.dma_semaphore, #tpu.memory_space<semaphore_mem>>) src(%dma_wait3A_94 : memref<128x128xf32, #tpu.memory_space<vmem>>) dst(%dma_wait3A_100 : memref<10112x128xf32, #tpu.memory_space<vmem_shared>>)
        tpu.yield
      }) : () -> ()
      %dma_wait3A_64 = arith.constant 1 : i32
      %dma_wait3A_65 = arith.constant 0 : i32
      %dma_wait3A_66 = arith.constant 0 : i32
      %dma_wait3A_67 = tpu.memref_slice %arg9[%dma_wait3A_64, %dma_wait3A_65, %dma_wait3A_66] : memref<2x128x128xf32, #tpu.memory_space<vmem>> -> memref<1x128x128xf32, #tpu.memory_space<vmem>>
      %dma_wait3A_68 = tpu.memref_squeeze %dma_wait3A_67 : memref<1x128x128xf32, #tpu.memory_space<vmem>> -> memref<128x128xf32, #tpu.memory_space<vmem>>
      %dma_wait3A_69 = arith.constant 0 : i32
      %dma_wait3A_70 = tpu.memref_slice %arg7[%add3A_42, %dma_wait3A_69] : memref<40x128xi32, #tpu.memory_space<vmem>> -> memref<1x128xi32, #tpu.memory_space<vmem>>
      %dma_wait3A_71 = tpu.memref_squeeze %dma_wait3A_70 : memref<1x128xi32, #tpu.memory_space<vmem>> -> memref<128xi32, #tpu.memory_space<vmem>>
      %dma_wait3A_72 = arith.constant 0 : i32
      %dma_wait3A_73 = arith.constant 0 : i32
      %dma_wait3A_74 = tpu.memref_slice %arg4[%dma_wait3A_72, %dma_wait3A_73] : memref<10000x128xf32, #tpu.memory_space<hbm>> -> memref<10000x128xf32, #tpu.memory_space<hbm>>
      tpu.wait_indirect_dma semaphore(%arg12 : memref<!tpu.dma_semaphore, #tpu.memory_space<semaphore_mem>>) src(%dma_wait3A_74 : memref<10000x128xf32, #tpu.memory_space<hbm>>) dst(%dma_wait3A_68 : memref<128x128xf32, #tpu.memory_space<vmem>>)
      %add3A_75 = arith.constant 1 : i32
      %add3A_76 = arith.addi %add3A_42, %add3A_75 : i32
      %lt3A = arith.constant 40 : i32
      %lt3A_77 = arith.cmpi slt, %add3A_76, %lt3A : i32
      %convert_element_type3A = arith.extui %lt3A_77 : i1 to i32
      %cond3A = arith.constant 0 : i32
      %cond3A_78 = arith.cmpi ne, %convert_element_type3A, %cond3A : i32
      scf.if %cond3A_78 {
        %add3A_80 = arith.constant 2 : i32
        %add3A_81 = arith.addi %mul3A_40, %add3A_80 : i32
        %dma_start3A_82 = arith.constant 0 : i32
        %dma_start3A_83 = arith.constant 0 : i32
        %dma_start3A_84 = arith.constant 0 : i32
        %dma_start3A_85 = tpu.memref_slice %arg9[%dma_start3A_82, %dma_start3A_83, %dma_start3A_84] : memref<2x128x128xf32, #tpu.memory_space<vmem>> -> memref<1x128x128xf32, #tpu.memory_space<vmem>>
        %dma_start3A_86 = tpu.memref_squeeze %dma_start3A_85 : memref<1x128x128xf32, #tpu.memory_space<vmem>> -> memref<128x128xf32, #tpu.memory_space<vmem>>
        %dma_start3A_87 = arith.constant 0 : i32
        %dma_start3A_88 = tpu.memref_slice %arg7[%add3A_81, %dma_start3A_87] : memref<40x128xi32, #tpu.memory_space<vmem>> -> memref<1x128xi32, #tpu.memory_space<vmem>>
        %dma_start3A_89 = tpu.memref_squeeze %dma_start3A_88 : memref<1x128xi32, #tpu.memory_space<vmem>> -> memref<128xi32, #tpu.memory_space<vmem>>
        %dma_start3A_90 = arith.constant 0 : i32
        %dma_start3A_91 = arith.constant 0 : i32
        %dma_start3A_92 = tpu.memref_slice %arg4[%dma_start3A_90, %dma_start3A_91] : memref<10000x128xf32, #tpu.memory_space<hbm>> -> memref<10000x128xf32, #tpu.memory_space<hbm>>
        tpu.enqueue_indirect_dma source(%dma_start3A_92 : memref<10000x128xf32, #tpu.memory_space<hbm>>) target(%dma_start3A_86 : memref<128x128xf32, #tpu.memory_space<vmem>>) offsets(%dma_start3A_89 : memref<128xi32, #tpu.memory_space<vmem>>) semaphore(%arg11 : memref<!tpu.dma_semaphore, #tpu.memory_space<semaphore_mem>>)
      } else {
      }
      %run_scoped3A_79 = arith.constant 1 : i32
      "tpu.region"() ({
        %run_scoped3A_80 = tpu.sem_alloc : memref<!tpu.dma_semaphore, #tpu.memory_space<semaphore_mem>>
        %dma_start3A_81 = arith.constant 0 : i32
        %dma_start3A_82 = arith.constant 0 : i32
        %dma_start3A_83 = tpu.memref_slice %arg9[%run_scoped3A_79, %dma_start3A_81, %dma_start3A_82] : memref<2x128x128xf32, #tpu.memory_space<vmem>> -> memref<1x128x128xf32, #tpu.memory_space<vmem>>
        %dma_start3A_84 = tpu.memref_squeeze %dma_start3A_83 : memref<1x128x128xf32, #tpu.memory_space<vmem>> -> memref<128x128xf32, #tpu.memory_space<vmem>>
        %dma_start3A_85 = arith.constant 0 : i32
        %dma_start3A_86 = tpu.memref_slice %arg8[%add3A_42, %dma_start3A_85] : memref<40x128xi32, #tpu.memory_space<vmem>> -> memref<1x128xi32, #tpu.memory_space<vmem>>
        %dma_start3A_87 = tpu.memref_squeeze %dma_start3A_86 : memref<1x128xi32, #tpu.memory_space<vmem>> -> memref<128xi32, #tpu.memory_space<vmem>>
        %dma_start3A_88 = arith.constant 0 : i32
        %dma_start3A_89 = arith.constant 0 : i32
        %dma_start3A_90 = tpu.memref_slice %arg10[%dma_start3A_88, %dma_start3A_89] : memref<10112x128xf32, #tpu.memory_space<vmem_shared>> -> memref<10112x128xf32, #tpu.memory_space<vmem_shared>>
        tpu.enqueue_indirect_dma source(%dma_start3A_84 : memref<128x128xf32, #tpu.memory_space<vmem>>) target(%dma_start3A_90 : memref<10112x128xf32, #tpu.memory_space<vmem_shared>>) offsets(%dma_start3A_87 : memref<128xi32, #tpu.memory_space<vmem>>) semaphore(%run_scoped3A_80 : memref<!tpu.dma_semaphore, #tpu.memory_space<semaphore_mem>>) {add = true}
        %dma_wait3A_91 = arith.constant 0 : i32
        %dma_wait3A_92 = arith.constant 0 : i32
        %dma_wait3A_93 = tpu.memref_slice %arg9[%run_scoped3A_79, %dma_wait3A_91, %dma_wait3A_92] : memref<2x128x128xf32, #tpu.memory_space<vmem>> -> memref<1x128x128xf32, #tpu.memory_space<vmem>>
        %dma_wait3A_94 = tpu.memref_squeeze %dma_wait3A_93 : memref<1x128x128xf32, #tpu.memory_space<vmem>> -> memref<128x128xf32, #tpu.memory_space<vmem>>
        %dma_wait3A_95 = arith.constant 0 : i32
        %dma_wait3A_96 = tpu.memref_slice %arg8[%add3A_42, %dma_wait3A_95] : memref<40x128xi32, #tpu.memory_space<vmem>> -> memref<1x128xi32, #tpu.memory_space<vmem>>
        %dma_wait3A_97 = tpu.memref_squeeze %dma_wait3A_96 : memref<1x128xi32, #tpu.memory_space<vmem>> -> memref<128xi32, #tpu.memory_space<vmem>>
        %dma_wait3A_98 = arith.constant 0 : i32
        %dma_wait3A_99 = arith.constant 0 : i32
        %dma_wait3A_100 = tpu.memref_slice %arg10[%dma_wait3A_98, %dma_wait3A_99] : memref<10112x128xf32, #tpu.memory_space<vmem_shared>> -> memref<10112x128xf32, #tpu.memory_space<vmem_shared>>
        tpu.wait_indirect_dma semaphore(%run_scoped3A_80 : memref<!tpu.dma_semaphore, #tpu.memory_space<semaphore_mem>>) src(%dma_wait3A_94 : memref<128x128xf32, #tpu.memory_space<vmem>>) dst(%dma_wait3A_100 : memref<10112x128xf32, #tpu.memory_space<vmem_shared>>)
        tpu.yield
      }) : () -> ()
    }
    %scan3A_18 = arith.constant 20 : i32
    "tpu.region"() ({
      %run_scoped3A = tpu.sem_alloc : memref<!tpu.dma_semaphore, #tpu.memory_space<semaphore_mem>>
      %dma_start3A_38 = arith.constant 40 : i32
      %dma_start3A_39 = arith.constant 0 : i32
      %dma_start3A_40 = tpu.memref_slice %arg2[%add3A, %dma_start3A_38, %dma_start3A_39] : memref<32x80x128xi32, #tpu.memory_space<hbm>> -> memref<1x40x128xi32, #tpu.memory_space<hbm>>
      %dma_start3A_41 = tpu.memref_squeeze %dma_start3A_40 : memref<1x40x128xi32, #tpu.memory_space<hbm>> -> memref<40x128xi32, #tpu.memory_space<hbm>>
      %dma_start3A_42 = arith.constant 40 : i32
      %dma_start3A_43 = arith.constant 0 : i32
      %dma_start3A_44 = tpu.memref_slice %arg2[%add3A, %dma_start3A_42, %dma_start3A_43] : memref<32x80x128xi32, #tpu.memory_space<hbm>> -> memref<1x40x128xi32, #tpu.memory_space<hbm>>
      %dma_start3A_45 = tpu.memref_squeeze %dma_start3A_44 : memref<1x40x128xi32, #tpu.memory_space<hbm>> -> memref<40x128xi32, #tpu.memory_space<hbm>>
      tpu.enqueue_dma source(%dma_start3A_45 : memref<40x128xi32, #tpu.memory_space<hbm>>) target(%arg7 : memref<40x128xi32, #tpu.memory_space<vmem>>) target_semaphore(%run_scoped3A : memref<!tpu.dma_semaphore, #tpu.memory_space<semaphore_mem>>)
      %dma_wait3A = arith.constant 40 : i32
      %dma_wait3A_46 = arith.constant 0 : i32
      %dma_wait3A_47 = tpu.memref_slice %arg2[%add3A, %dma_wait3A, %dma_wait3A_46] : memref<32x80x128xi32, #tpu.memory_space<hbm>> -> memref<1x40x128xi32, #tpu.memory_space<hbm>>
      %dma_wait3A_48 = tpu.memref_squeeze %dma_wait3A_47 : memref<1x40x128xi32, #tpu.memory_space<hbm>> -> memref<40x128xi32, #tpu.memory_space<hbm>>
      %dma_wait3A_49 = arith.constant 40 : i32
      %dma_wait3A_50 = arith.constant 0 : i32
      %dma_wait3A_51 = tpu.memref_slice %arg2[%add3A, %dma_wait3A_49, %dma_wait3A_50] : memref<32x80x128xi32, #tpu.memory_space<hbm>> -> memref<1x40x128xi32, #tpu.memory_space<hbm>>
      %dma_wait3A_52 = tpu.memref_squeeze %dma_wait3A_51 : memref<1x40x128xi32, #tpu.memory_space<hbm>> -> memref<40x128xi32, #tpu.memory_space<hbm>>
      tpu.wait_dma2 semaphore(%run_scoped3A : memref<!tpu.dma_semaphore, #tpu.memory_space<semaphore_mem>>) src(%dma_wait3A_52 : memref<40x128xi32, #tpu.memory_space<hbm>>) dst(%arg7 : memref<40x128xi32, #tpu.memory_space<vmem>>)
      tpu.yield
    }) : () -> ()
    "tpu.region"() ({
      %run_scoped3A = tpu.sem_alloc : memref<!tpu.dma_semaphore, #tpu.memory_space<semaphore_mem>>
      %dma_start3A_38 = arith.constant 40 : i32
      %dma_start3A_39 = arith.constant 0 : i32
      %dma_start3A_40 = tpu.memref_slice %arg3[%add3A, %dma_start3A_38, %dma_start3A_39] : memref<32x80x128xi32, #tpu.memory_space<hbm>> -> memref<1x40x128xi32, #tpu.memory_space<hbm>>
      %dma_start3A_41 = tpu.memref_squeeze %dma_start3A_40 : memref<1x40x128xi32, #tpu.memory_space<hbm>> -> memref<40x128xi32, #tpu.memory_space<hbm>>
      %dma_start3A_42 = arith.constant 40 : i32
      %dma_start3A_43 = arith.constant 0 : i32
      %dma_start3A_44 = tpu.memref_slice %arg3[%add3A, %dma_start3A_42, %dma_start3A_43] : memref<32x80x128xi32, #tpu.memory_space<hbm>> -> memref<1x40x128xi32, #tpu.memory_space<hbm>>
      %dma_start3A_45 = tpu.memref_squeeze %dma_start3A_44 : memref<1x40x128xi32, #tpu.memory_space<hbm>> -> memref<40x128xi32, #tpu.memory_space<hbm>>
      tpu.enqueue_dma source(%dma_start3A_45 : memref<40x128xi32, #tpu.memory_space<hbm>>) target(%arg8 : memref<40x128xi32, #tpu.memory_space<vmem>>) target_semaphore(%run_scoped3A : memref<!tpu.dma_semaphore, #tpu.memory_space<semaphore_mem>>)
      %dma_wait3A = arith.constant 40 : i32
      %dma_wait3A_46 = arith.constant 0 : i32
      %dma_wait3A_47 = tpu.memref_slice %arg3[%add3A, %dma_wait3A, %dma_wait3A_46] : memref<32x80x128xi32, #tpu.memory_space<hbm>> -> memref<1x40x128xi32, #tpu.memory_space<hbm>>
      %dma_wait3A_48 = tpu.memref_squeeze %dma_wait3A_47 : memref<1x40x128xi32, #tpu.memory_space<hbm>> -> memref<40x128xi32, #tpu.memory_space<hbm>>
      %dma_wait3A_49 = arith.constant 40 : i32
      %dma_wait3A_50 = arith.constant 0 : i32
      %dma_wait3A_51 = tpu.memref_slice %arg3[%add3A, %dma_wait3A_49, %dma_wait3A_50] : memref<32x80x128xi32, #tpu.memory_space<hbm>> -> memref<1x40x128xi32, #tpu.memory_space<hbm>>
      %dma_wait3A_52 = tpu.memref_squeeze %dma_wait3A_51 : memref<1x40x128xi32, #tpu.memory_space<hbm>> -> memref<40x128xi32, #tpu.memory_space<hbm>>
      tpu.wait_dma2 semaphore(%run_scoped3A : memref<!tpu.dma_semaphore, #tpu.memory_space<semaphore_mem>>) src(%dma_wait3A_52 : memref<40x128xi32, #tpu.memory_space<hbm>>) dst(%arg8 : memref<40x128xi32, #tpu.memory_space<vmem>>)
      tpu.yield
    }) : () -> ()
    %dma_start3A_19 = arith.constant 0 : i32
    %dma_start3A_20 = arith.constant 0 : i32
    %dma_start3A_21 = arith.constant 0 : i32
    %dma_start3A_22 = arith.constant 0 : i32
    %dma_start3A_23 = tpu.memref_slice %arg9[%dma_start3A_20, %dma_start3A_21, %dma_start3A_22] : memref<2x128x128xf32, #tpu.memory_space<vmem>> -> memref<1x128x128xf32, #tpu.memory_space<vmem>>
    %dma_start3A_24 = tpu.memref_squeeze %dma_start3A_23 : memref<1x128x128xf32, #tpu.memory_space<vmem>> -> memref<128x128xf32, #tpu.memory_space<vmem>>
    %dma_start3A_25 = arith.constant 0 : i32
    %dma_start3A_26 = tpu.memref_slice %arg7[%dma_start3A_19, %dma_start3A_25] : memref<40x128xi32, #tpu.memory_space<vmem>> -> memref<1x128xi32, #tpu.memory_space<vmem>>
    %dma_start3A_27 = tpu.memref_squeeze %dma_start3A_26 : memref<1x128xi32, #tpu.memory_space<vmem>> -> memref<128xi32, #tpu.memory_space<vmem>>
    %dma_start3A_28 = arith.constant 0 : i32
    %dma_start3A_29 = arith.constant 0 : i32
    %dma_start3A_30 = tpu.memref_slice %arg4[%dma_start3A_28, %dma_start3A_29] : memref<10000x128xf32, #tpu.memory_space<hbm>> -> memref<10000x128xf32, #tpu.memory_space<hbm>>
    tpu.enqueue_indirect_dma source(%dma_start3A_30 : memref<10000x128xf32, #tpu.memory_space<hbm>>) target(%dma_start3A_24 : memref<128x128xf32, #tpu.memory_space<vmem>>) offsets(%dma_start3A_27 : memref<128xi32, #tpu.memory_space<vmem>>) semaphore(%arg11 : memref<!tpu.dma_semaphore, #tpu.memory_space<semaphore_mem>>)
    %scan3A_31 = arith.constant 0 : i32
    %scan3A_32 = arith.constant 0 : i32
    %scan3A_33 = arith.constant 20 : i32
    %scan3A_34 = arith.addi %scan3A_32, %scan3A_33 : i32
    %scan3A_35 = arith.constant 1 : i32
    scf.for %scan3A_38 = %scan3A_32 to %scan3A_34 step %scan3A_35  : i32 {
      %mul3A_39 = arith.constant 2 : i32
      %mul3A_40 = arith.muli %scan3A_38, %mul3A_39 : i32
      %add3A_41 = arith.constant 1 : i32
      %add3A_42 = arith.addi %mul3A_40, %add3A_41 : i32
      %dma_wait3A = arith.constant 0 : i32
      %dma_wait3A_43 = arith.constant 0 : i32
      %dma_wait3A_44 = arith.constant 0 : i32
      %dma_wait3A_45 = tpu.memref_slice %arg9[%dma_wait3A, %dma_wait3A_43, %dma_wait3A_44] : memref<2x128x128xf32, #tpu.memory_space<vmem>> -> memref<1x128x128xf32, #tpu.memory_space<vmem>>
      %dma_wait3A_46 = tpu.memref_squeeze %dma_wait3A_45 : memref<1x128x128xf32, #tpu.memory_space<vmem>> -> memref<128x128xf32, #tpu.memory_space<vmem>>
      %dma_wait3A_47 = arith.constant 0 : i32
      %dma_wait3A_48 = tpu.memref_slice %arg7[%mul3A_40, %dma_wait3A_47] : memref<40x128xi32, #tpu.memory_space<vmem>> -> memref<1x128xi32, #tpu.memory_space<vmem>>
      %dma_wait3A_49 = tpu.memref_squeeze %dma_wait3A_48 : memref<1x128xi32, #tpu.memory_space<vmem>> -> memref<128xi32, #tpu.memory_space<vmem>>
      %dma_wait3A_50 = arith.constant 0 : i32
      %dma_wait3A_51 = arith.constant 0 : i32
      %dma_wait3A_52 = tpu.memref_slice %arg4[%dma_wait3A_50, %dma_wait3A_51] : memref<10000x128xf32, #tpu.memory_space<hbm>> -> memref<10000x128xf32, #tpu.memory_space<hbm>>
      tpu.wait_indirect_dma semaphore(%arg11 : memref<!tpu.dma_semaphore, #tpu.memory_space<semaphore_mem>>) src(%dma_wait3A_52 : memref<10000x128xf32, #tpu.memory_space<hbm>>) dst(%dma_wait3A_46 : memref<128x128xf32, #tpu.memory_space<vmem>>)
      %dma_start3A_53 = arith.constant 1 : i32
      %dma_start3A_54 = arith.constant 0 : i32
      %dma_start3A_55 = arith.constant 0 : i32
      %dma_start3A_56 = tpu.memref_slice %arg9[%dma_start3A_53, %dma_start3A_54, %dma_start3A_55] : memref<2x128x128xf32, #tpu.memory_space<vmem>> -> memref<1x128x128xf32, #tpu.memory_space<vmem>>
      %dma_start3A_57 = tpu.memref_squeeze %dma_start3A_56 : memref<1x128x128xf32, #tpu.memory_space<vmem>> -> memref<128x128xf32, #tpu.memory_space<vmem>>
      %dma_start3A_58 = arith.constant 0 : i32
      %dma_start3A_59 = tpu.memref_slice %arg7[%add3A_42, %dma_start3A_58] : memref<40x128xi32, #tpu.memory_space<vmem>> -> memref<1x128xi32, #tpu.memory_space<vmem>>
      %dma_start3A_60 = tpu.memref_squeeze %dma_start3A_59 : memref<1x128xi32, #tpu.memory_space<vmem>> -> memref<128xi32, #tpu.memory_space<vmem>>
      %dma_start3A_61 = arith.constant 0 : i32
      %dma_start3A_62 = arith.constant 0 : i32
      %dma_start3A_63 = tpu.memref_slice %arg4[%dma_start3A_61, %dma_start3A_62] : memref<10000x128xf32, #tpu.memory_space<hbm>> -> memref<10000x128xf32, #tpu.memory_space<hbm>>
      tpu.enqueue_indirect_dma source(%dma_start3A_63 : memref<10000x128xf32, #tpu.memory_space<hbm>>) target(%dma_start3A_57 : memref<128x128xf32, #tpu.memory_space<vmem>>) offsets(%dma_start3A_60 : memref<128xi32, #tpu.memory_space<vmem>>) semaphore(%arg12 : memref<!tpu.dma_semaphore, #tpu.memory_space<semaphore_mem>>)
      %run_scoped3A = arith.constant 0 : i32
      "tpu.region"() ({
        %run_scoped3A_80 = tpu.sem_alloc : memref<!tpu.dma_semaphore, #tpu.memory_space<semaphore_mem>>
        %dma_start3A_81 = arith.constant 0 : i32
        %dma_start3A_82 = arith.constant 0 : i32
        %dma_start3A_83 = tpu.memref_slice %arg9[%run_scoped3A, %dma_start3A_81, %dma_start3A_82] : memref<2x128x128xf32, #tpu.memory_space<vmem>> -> memref<1x128x128xf32, #tpu.memory_space<vmem>>
        %dma_start3A_84 = tpu.memref_squeeze %dma_start3A_83 : memref<1x128x128xf32, #tpu.memory_space<vmem>> -> memref<128x128xf32, #tpu.memory_space<vmem>>
        %dma_start3A_85 = arith.constant 0 : i32
        %dma_start3A_86 = tpu.memref_slice %arg8[%mul3A_40, %dma_start3A_85] : memref<40x128xi32, #tpu.memory_space<vmem>> -> memref<1x128xi32, #tpu.memory_space<vmem>>
        %dma_start3A_87 = tpu.memref_squeeze %dma_start3A_86 : memref<1x128xi32, #tpu.memory_space<vmem>> -> memref<128xi32, #tpu.memory_space<vmem>>
        %dma_start3A_88 = arith.constant 0 : i32
        %dma_start3A_89 = arith.constant 0 : i32
        %dma_start3A_90 = tpu.memref_slice %arg10[%dma_start3A_88, %dma_start3A_89] : memref<10112x128xf32, #tpu.memory_space<vmem_shared>> -> memref<10112x128xf32, #tpu.memory_space<vmem_shared>>
        tpu.enqueue_indirect_dma source(%dma_start3A_84 : memref<128x128xf32, #tpu.memory_space<vmem>>) target(%dma_start3A_90 : memref<10112x128xf32, #tpu.memory_space<vmem_shared>>) offsets(%dma_start3A_87 : memref<128xi32, #tpu.memory_space<vmem>>) semaphore(%run_scoped3A_80 : memref<!tpu.dma_semaphore, #tpu.memory_space<semaphore_mem>>) {add = true}
        %dma_wait3A_91 = arith.constant 0 : i32
        %dma_wait3A_92 = arith.constant 0 : i32
        %dma_wait3A_93 = tpu.memref_slice %arg9[%run_scoped3A, %dma_wait3A_91, %dma_wait3A_92] : memref<2x128x128xf32, #tpu.memory_space<vmem>> -> memref<1x128x128xf32, #tpu.memory_space<vmem>>
        %dma_wait3A_94 = tpu.memref_squeeze %dma_wait3A_93 : memref<1x128x128xf32, #tpu.memory_space<vmem>> -> memref<128x128xf32, #tpu.memory_space<vmem>>
        %dma_wait3A_95 = arith.constant 0 : i32
        %dma_wait3A_96 = tpu.memref_slice %arg8[%mul3A_40, %dma_wait3A_95] : memref<40x128xi32, #tpu.memory_space<vmem>> -> memref<1x128xi32, #tpu.memory_space<vmem>>
        %dma_wait3A_97 = tpu.memref_squeeze %dma_wait3A_96 : memref<1x128xi32, #tpu.memory_space<vmem>> -> memref<128xi32, #tpu.memory_space<vmem>>
        %dma_wait3A_98 = arith.constant 0 : i32
        %dma_wait3A_99 = arith.constant 0 : i32
        %dma_wait3A_100 = tpu.memref_slice %arg10[%dma_wait3A_98, %dma_wait3A_99] : memref<10112x128xf32, #tpu.memory_space<vmem_shared>> -> memref<10112x128xf32, #tpu.memory_space<vmem_shared>>
        tpu.wait_indirect_dma semaphore(%run_scoped3A_80 : memref<!tpu.dma_semaphore, #tpu.memory_space<semaphore_mem>>) src(%dma_wait3A_94 : memref<128x128xf32, #tpu.memory_space<vmem>>) dst(%dma_wait3A_100 : memref<10112x128xf32, #tpu.memory_space<vmem_shared>>)
        tpu.yield
      }) : () -> ()
      %dma_wait3A_64 = arith.constant 1 : i32
      %dma_wait3A_65 = arith.constant 0 : i32
      %dma_wait3A_66 = arith.constant 0 : i32
      %dma_wait3A_67 = tpu.memref_slice %arg9[%dma_wait3A_64, %dma_wait3A_65, %dma_wait3A_66] : memref<2x128x128xf32, #tpu.memory_space<vmem>> -> memref<1x128x128xf32, #tpu.memory_space<vmem>>
      %dma_wait3A_68 = tpu.memref_squeeze %dma_wait3A_67 : memref<1x128x128xf32, #tpu.memory_space<vmem>> -> memref<128x128xf32, #tpu.memory_space<vmem>>
      %dma_wait3A_69 = arith.constant 0 : i32
      %dma_wait3A_70 = tpu.memref_slice %arg7[%add3A_42, %dma_wait3A_69] : memref<40x128xi32, #tpu.memory_space<vmem>> -> memref<1x128xi32, #tpu.memory_space<vmem>>
      %dma_wait3A_71 = tpu.memref_squeeze %dma_wait3A_70 : memref<1x128xi32, #tpu.memory_space<vmem>> -> memref<128xi32, #tpu.memory_space<vmem>>
      %dma_wait3A_72 = arith.constant 0 : i32
      %dma_wait3A_73 = arith.constant 0 : i32
      %dma_wait3A_74 = tpu.memref_slice %arg4[%dma_wait3A_72, %dma_wait3A_73] : memref<10000x128xf32, #tpu.memory_space<hbm>> -> memref<10000x128xf32, #tpu.memory_space<hbm>>
      tpu.wait_indirect_dma semaphore(%arg12 : memref<!tpu.dma_semaphore, #tpu.memory_space<semaphore_mem>>) src(%dma_wait3A_74 : memref<10000x128xf32, #tpu.memory_space<hbm>>) dst(%dma_wait3A_68 : memref<128x128xf32, #tpu.memory_space<vmem>>)
      %add3A_75 = arith.constant 1 : i32
      %add3A_76 = arith.addi %add3A_42, %add3A_75 : i32
      %lt3A = arith.constant 40 : i32
      %lt3A_77 = arith.cmpi slt, %add3A_76, %lt3A : i32
      %convert_element_type3A = arith.extui %lt3A_77 : i1 to i32
      %cond3A = arith.constant 0 : i32
      %cond3A_78 = arith.cmpi ne, %convert_element_type3A, %cond3A : i32
      scf.if %cond3A_78 {
        %add3A_80 = arith.constant 2 : i32
        %add3A_81 = arith.addi %mul3A_40, %add3A_80 : i32
        %dma_start3A_82 = arith.constant 0 : i32
        %dma_start3A_83 = arith.constant 0 : i32
        %dma_start3A_84 = arith.constant 0 : i32
        %dma_start3A_85 = tpu.memref_slice %arg9[%dma_start3A_82, %dma_start3A_83, %dma_start3A_84] : memref<2x128x128xf32, #tpu.memory_space<vmem>> -> memref<1x128x128xf32, #tpu.memory_space<vmem>>
        %dma_start3A_86 = tpu.memref_squeeze %dma_start3A_85 : memref<1x128x128xf32, #tpu.memory_space<vmem>> -> memref<128x128xf32, #tpu.memory_space<vmem>>
        %dma_start3A_87 = arith.constant 0 : i32
        %dma_start3A_88 = tpu.memref_slice %arg7[%add3A_81, %dma_start3A_87] : memref<40x128xi32, #tpu.memory_space<vmem>> -> memref<1x128xi32, #tpu.memory_space<vmem>>
        %dma_start3A_89 = tpu.memref_squeeze %dma_start3A_88 : memref<1x128xi32, #tpu.memory_space<vmem>> -> memref<128xi32, #tpu.memory_space<vmem>>
        %dma_start3A_90 = arith.constant 0 : i32
        %dma_start3A_91 = arith.constant 0 : i32
        %dma_start3A_92 = tpu.memref_slice %arg4[%dma_start3A_90, %dma_start3A_91] : memref<10000x128xf32, #tpu.memory_space<hbm>> -> memref<10000x128xf32, #tpu.memory_space<hbm>>
        tpu.enqueue_indirect_dma source(%dma_start3A_92 : memref<10000x128xf32, #tpu.memory_space<hbm>>) target(%dma_start3A_86 : memref<128x128xf32, #tpu.memory_space<vmem>>) offsets(%dma_start3A_89 : memref<128xi32, #tpu.memory_space<vmem>>) semaphore(%arg11 : memref<!tpu.dma_semaphore, #tpu.memory_space<semaphore_mem>>)
      } else {
      }
      %run_scoped3A_79 = arith.constant 1 : i32
      "tpu.region"() ({
        %run_scoped3A_80 = tpu.sem_alloc : memref<!tpu.dma_semaphore, #tpu.memory_space<semaphore_mem>>
        %dma_start3A_81 = arith.constant 0 : i32
        %dma_start3A_82 = arith.constant 0 : i32
        %dma_start3A_83 = tpu.memref_slice %arg9[%run_scoped3A_79, %dma_start3A_81, %dma_start3A_82] : memref<2x128x128xf32, #tpu.memory_space<vmem>> -> memref<1x128x128xf32, #tpu.memory_space<vmem>>
        %dma_start3A_84 = tpu.memref_squeeze %dma_start3A_83 : memref<1x128x128xf32, #tpu.memory_space<vmem>> -> memref<128x128xf32, #tpu.memory_space<vmem>>
        %dma_start3A_85 = arith.constant 0 : i32
        %dma_start3A_86 = tpu.memref_slice %arg8[%add3A_42, %dma_start3A_85] : memref<40x128xi32, #tpu.memory_space<vmem>> -> memref<1x128xi32, #tpu.memory_space<vmem>>
        %dma_start3A_87 = tpu.memref_squeeze %dma_start3A_86 : memref<1x128xi32, #tpu.memory_space<vmem>> -> memref<128xi32, #tpu.memory_space<vmem>>
        %dma_start3A_88 = arith.constant 0 : i32
        %dma_start3A_89 = arith.constant 0 : i32
        %dma_start3A_90 = tpu.memref_slice %arg10[%dma_start3A_88, %dma_start3A_89] : memref<10112x128xf32, #tpu.memory_space<vmem_shared>> -> memref<10112x128xf32, #tpu.memory_space<vmem_shared>>
        tpu.enqueue_indirect_dma source(%dma_start3A_84 : memref<128x128xf32, #tpu.memory_space<vmem>>) target(%dma_start3A_90 : memref<10112x128xf32, #tpu.memory_space<vmem_shared>>) offsets(%dma_start3A_87 : memref<128xi32, #tpu.memory_space<vmem>>) semaphore(%run_scoped3A_80 : memref<!tpu.dma_semaphore, #tpu.memory_space<semaphore_mem>>) {add = true}
        %dma_wait3A_91 = arith.constant 0 : i32
        %dma_wait3A_92 = arith.constant 0 : i32
        %dma_wait3A_93 = tpu.memref_slice %arg9[%run_scoped3A_79, %dma_wait3A_91, %dma_wait3A_92] : memref<2x128x128xf32, #tpu.memory_space<vmem>> -> memref<1x128x128xf32, #tpu.memory_space<vmem>>
        %dma_wait3A_94 = tpu.memref_squeeze %dma_wait3A_93 : memref<1x128x128xf32, #tpu.memory_space<vmem>> -> memref<128x128xf32, #tpu.memory_space<vmem>>
        %dma_wait3A_95 = arith.constant 0 : i32
        %dma_wait3A_96 = tpu.memref_slice %arg8[%add3A_42, %dma_wait3A_95] : memref<40x128xi32, #tpu.memory_space<vmem>> -> memref<1x128xi32, #tpu.memory_space<vmem>>
        %dma_wait3A_97 = tpu.memref_squeeze %dma_wait3A_96 : memref<1x128xi32, #tpu.memory_space<vmem>> -> memref<128xi32, #tpu.memory_space<vmem>>
        %dma_wait3A_98 = arith.constant 0 : i32
        %dma_wait3A_99 = arith.constant 0 : i32
        %dma_wait3A_100 = tpu.memref_slice %arg10[%dma_wait3A_98, %dma_wait3A_99] : memref<10112x128xf32, #tpu.memory_space<vmem_shared>> -> memref<10112x128xf32, #tpu.memory_space<vmem_shared>>
        tpu.wait_indirect_dma semaphore(%run_scoped3A_80 : memref<!tpu.dma_semaphore, #tpu.memory_space<semaphore_mem>>) src(%dma_wait3A_94 : memref<128x128xf32, #tpu.memory_space<vmem>>) dst(%dma_wait3A_100 : memref<10112x128xf32, #tpu.memory_space<vmem_shared>>)
        tpu.yield
      }) : () -> ()
    }
    %scan3A_36 = arith.constant 20 : i32
    %barrier3A_37 = arith.constant 0 : index
    tpu.barrier barrier_id(%barrier3A_37)
    "tpu.region"() ({
      %run_scoped3A = tpu.sem_alloc : memref<!tpu.dma_semaphore, #tpu.memory_space<semaphore_mem>>
      %dma_start3A_38 = arith.constant 0 : i32
      %dma_start3A_39 = tpu.memref_slice %arg6[%arg0, %multiple_of3A, %dma_start3A_38] : memref<2x10112x128xf32, #tpu.memory_space<hbm>> -> memref<1x632x128xf32, #tpu.memory_space<hbm>>
      %dma_start3A_40 = tpu.memref_squeeze %dma_start3A_39 : memref<1x632x128xf32, #tpu.memory_space<hbm>> -> memref<632x128xf32, #tpu.memory_space<hbm>>
      %dma_start3A_41 = arith.constant 0 : i32
      %dma_start3A_42 = tpu.memref_slice %arg10[%multiple_of3A, %dma_start3A_41] : memref<10112x128xf32, #tpu.memory_space<vmem_shared>> -> memref<632x128xf32, #tpu.memory_space<vmem_shared>>
      tpu.enqueue_dma source(%dma_start3A_42 : memref<632x128xf32, #tpu.memory_space<vmem_shared>>) target(%dma_start3A_40 : memref<632x128xf32, #tpu.memory_space<hbm>>) target_semaphore(%run_scoped3A : memref<!tpu.dma_semaphore, #tpu.memory_space<semaphore_mem>>)
      %dma_wait3A = arith.constant 0 : i32
      %dma_wait3A_43 = tpu.memref_slice %arg6[%arg0, %multiple_of3A, %dma_wait3A] : memref<2x10112x128xf32, #tpu.memory_space<hbm>> -> memref<1x632x128xf32, #tpu.memory_space<hbm>>
      %dma_wait3A_44 = tpu.memref_squeeze %dma_wait3A_43 : memref<1x632x128xf32, #tpu.memory_space<hbm>> -> memref<632x128xf32, #tpu.memory_space<hbm>>
      %dma_wait3A_45 = arith.constant 0 : i32
      %dma_wait3A_46 = tpu.memref_slice %arg10[%multiple_of3A, %dma_wait3A_45] : memref<10112x128xf32, #tpu.memory_space<vmem_shared>> -> memref<632x128xf32, #tpu.memory_space<vmem_shared>>
      tpu.wait_dma2 semaphore(%run_scoped3A : memref<!tpu.dma_semaphore, #tpu.memory_space<semaphore_mem>>) src(%dma_wait3A_46 : memref<632x128xf32, #tpu.memory_space<vmem_shared>>) dst(%dma_wait3A_44 : memref<632x128xf32, #tpu.memory_space<hbm>>)
      tpu.yield
    }) : () -> ()
    return
  }
}

module attributes {stable_mosaic.version = 14 : i64} {
  func.func @_tc1a_body(%arg0: i32, %arg1: memref<1000x128xf32, #tpu.memory_space<vmem>>, %arg2: memref<128x128xf32, #tpu.memory_space<vmem>>, %arg3: memref<1000x128xf32, #tpu.memory_space<vmem>>) attributes {dimension_semantics = [#tpu.dimension_semantics<arbitrary>], iteration_bounds = array<i64: 10>, scalar_prefetch = 0 : i64, scratch_operands = 0 : i64, tpu.core_type = #tpu.core_type<tc>, window_params = [{transform_indices = @transform_0, window_bounds = array<i64: 1000, 128>}, {pipeline_mode = #tpu.pipeline_mode<synchronous>, transform_indices = @transform_1, window_bounds = array<i64: 128, 128>}, {transform_indices = @transform_2, window_bounds = array<i64: 1000, 128>}]} {
    %get3A = arith.constant 0 : index
    %get3A_0 = arith.constant 0 : index
    %get3A_1 = vector.load %arg1[%get3A, %get3A_0] : memref<1000x128xf32, #tpu.memory_space<vmem>>, vector<1000x128xf32>
    %get3A_2 = arith.constant 0 : index
    %get3A_3 = arith.constant 0 : index
    %get3A_4 = vector.load %arg2[%get3A_2, %get3A_3] : memref<128x128xf32, #tpu.memory_space<vmem>>, vector<128x128xf32>
    %dot_general3A = arith.constant dense<0.000000e+00> : vector<1000x128xf32>
    %dot_general3A_5 = tpu.matmul %get3A_1, %get3A_4, %dot_general3A {dimension_numbers = #tpu.dot_dimension_numbers<[1], [0], [0], [1], [0, 0, 1, 1], [], []>, transpose_lhs_hint = false} : vector<1000x128xf32>, vector<128x128xf32>, vector<1000x128xf32> -> vector<1000x128xf32>
    %swap3A = arith.constant 0 : index
    %swap3A_6 = arith.constant 0 : index
    %swap3A_7 = vector.load %arg3[%swap3A, %swap3A_6] : memref<1000x128xf32, #tpu.memory_space<vmem>>, vector<1000x128xf32>
    tpu.vector_store %arg3[%swap3A, %swap3A_6], %dot_general3A_5 {strides = array<i32>} : memref<1000x128xf32, #tpu.memory_space<vmem>>, vector<1000x128xf32>,
    return
  }
  func.func @transform_0(%arg0: i32) -> (i32, i32) {
    %c0_i32 = arith.constant 0 : i32
    %c0_i32_0 = arith.constant 0 : i32
    return %arg0, %c0_i32 : i32, i32
  }
  func.func @transform_1(%arg0: i32) -> (i32, i32) {
    %c0_i32 = arith.constant 0 : i32
    %c0_i32_0 = arith.constant 0 : i32
    %c0_i32_1 = arith.constant 0 : i32
    return %c0_i32, %c0_i32_0 : i32, i32
  }
  func.func @transform_2(%arg0: i32) -> (i32, i32) {
    %c0_i32 = arith.constant 0 : i32
    %c0_i32_0 = arith.constant 0 : i32
    return %arg0, %c0_i32 : i32, i32
  }
}

module attributes {stable_mosaic.version = 14 : i64} {
  func.func @_tc1b_body(%arg0: i32, %arg1: memref<1000x128xf32, #tpu.memory_space<vmem>>, %arg2: memref<1000x32xf32, #tpu.memory_space<vmem>>, %arg3: memref<1000x128xf32, #tpu.memory_space<vmem>>) attributes {dimension_semantics = [#tpu.dimension_semantics<arbitrary>], iteration_bounds = array<i64: 10>, scalar_prefetch = 0 : i64, scratch_operands = 0 : i64, tpu.core_type = #tpu.core_type<tc>, window_params = [{transform_indices = @transform_0, window_bounds = array<i64: 1000, 128>}, {transform_indices = @transform_1, window_bounds = array<i64: 1000, 32>}, {transform_indices = @transform_2, window_bounds = array<i64: 1000, 128>}]} {
    %get3A = arith.constant 0 : index
    %get3A_0 = arith.constant 0 : index
    %get3A_1 = vector.load %arg1[%get3A, %get3A_0] : memref<1000x128xf32, #tpu.memory_space<vmem>>, vector<1000x128xf32>
    %get3A_2 = arith.constant 0 : index
    %get3A_3 = arith.constant 0 : index
    %get3A_4 = vector.load %arg2[%get3A_2, %get3A_3] : memref<1000x32xf32, #tpu.memory_space<vmem>>, vector<1000x32xf32>
    %reduce_sum3A = arith.constant dense<0.000000e+00> : vector<1000xf32>
    %reduce_sum3A_5 = vector.multi_reduction <add>, %get3A_4, %reduce_sum3A [1] : vector<1000x32xf32> to vector<1000xf32>
    %broadcast_in_dim3A = vector.shape_cast %reduce_sum3A_5 : vector<1000xf32> to vector<1000x1xf32>
    %add3A = arith.constant 1.000000e+00 : f32
    %add3A_6 = vector.broadcast %add3A : f32 to vector<1000x1xf32>
    %add3A_7 = arith.addf %broadcast_in_dim3A, %add3A_6 : vector<1000x1xf32>
    %rsqrt3A = math.rsqrt %add3A_7 : vector<1000x1xf32>
    %mul3A = vector.broadcast %rsqrt3A : vector<1000x1xf32> to vector<1000x128xf32>
    %mul3A_8 = arith.mulf %get3A_1, %mul3A : vector<1000x128xf32>
    %swap3A = arith.constant 0 : index
    %swap3A_9 = arith.constant 0 : index
    %swap3A_10 = vector.load %arg3[%swap3A, %swap3A_9] : memref<1000x128xf32, #tpu.memory_space<vmem>>, vector<1000x128xf32>
    tpu.vector_store %arg3[%swap3A, %swap3A_9], %mul3A_8 {strides = array<i32>} : memref<1000x128xf32, #tpu.memory_space<vmem>>, vector<1000x128xf32>,
    return
  }
  func.func @transform_0(%arg0: i32) -> (i32, i32) {
    %c0_i32 = arith.constant 0 : i32
    %c0_i32_0 = arith.constant 0 : i32
    return %arg0, %c0_i32 : i32, i32
  }
  func.func @transform_1(%arg0: i32) -> (i32, i32) {
    %c0_i32 = arith.constant 0 : i32
    %c0_i32_0 = arith.constant 0 : i32
    return %arg0, %c0_i32 : i32, i32
  }
  func.func @transform_2(%arg0: i32) -> (i32, i32) {
    %c0_i32 = arith.constant 0 : i32
    %c0_i32_0 = arith.constant 0 : i32
    return %arg0, %c0_i32 : i32, i32
  }
}

module attributes {stable_mosaic.version = 14 : i64} {
  func.func @_tc2_body(%arg0: i32, %arg1: memref<2x1000x128xf32, #tpu.memory_space<vmem>>, %arg2: memref<1000x128xf32, #tpu.memory_space<vmem>>, %arg3: memref<1000x32xf32, #tpu.memory_space<vmem>>, %arg4: memref<1x128xf32, #tpu.memory_space<vmem>>, %arg5: memref<128x128xf32, #tpu.memory_space<vmem>>, %arg6: memref<1000x128xf32, #tpu.memory_space<vmem>>) attributes {dimension_semantics = [#tpu.dimension_semantics<arbitrary>], iteration_bounds = array<i64: 10>, scalar_prefetch = 0 : i64, scratch_operands = 0 : i64, tpu.core_type = #tpu.core_type<tc>, window_params = [{transform_indices = @transform_0, window_bounds = array<i64: 2, 1000, 128>}, {transform_indices = @transform_1, window_bounds = array<i64: 1000, 128>}, {transform_indices = @transform_2, window_bounds = array<i64: 1000, 32>}, {pipeline_mode = #tpu.pipeline_mode<synchronous>, transform_indices = @transform_3, window_bounds = array<i64: 1, 128>}, {pipeline_mode = #tpu.pipeline_mode<synchronous>, transform_indices = @transform_4, window_bounds = array<i64: 128, 128>}, {transform_indices = @transform_5, window_bounds = array<i64: 1000, 128>}]} {
    %get3A = arith.constant 0 : index
    %get3A_0 = arith.constant 0 : index
    %get3A_1 = vector.load %arg3[%get3A, %get3A_0] : memref<1000x32xf32, #tpu.memory_space<vmem>>, vector<1000x32xf32>
    %reduce_sum3A = arith.constant dense<0.000000e+00> : vector<1000xf32>
    %reduce_sum3A_2 = vector.multi_reduction <add>, %get3A_1, %reduce_sum3A [1] : vector<1000x32xf32> to vector<1000xf32>
    %broadcast_in_dim3A = vector.shape_cast %reduce_sum3A_2 : vector<1000xf32> to vector<1000x1xf32>
    %add3A = arith.constant 1.000000e+00 : f32
    %add3A_3 = vector.broadcast %add3A : f32 to vector<1000x1xf32>
    %add3A_4 = arith.addf %broadcast_in_dim3A, %add3A_3 : vector<1000x1xf32>
    %rsqrt3A = math.rsqrt %add3A_4 : vector<1000x1xf32>
    %get3A_5 = arith.constant 0 : index
    %get3A_6 = arith.constant 0 : index
    %get3A_7 = arith.constant 0 : index
    %get3A_8 = vector.load %arg1[%get3A_5, %get3A_6, %get3A_7] : memref<2x1000x128xf32, #tpu.memory_space<vmem>>, vector<1x1000x128xf32>
    %get3A_9 = vector.shape_cast %get3A_8 : vector<1x1000x128xf32> to vector<1000x128xf32>
    %get3A_10 = arith.constant 1 : index
    %get3A_11 = arith.constant 0 : index
    %get3A_12 = arith.constant 0 : index
    %get3A_13 = vector.load %arg1[%get3A_10, %get3A_11, %get3A_12] : memref<2x1000x128xf32, #tpu.memory_space<vmem>>, vector<1x1000x128xf32>
    %get3A_14 = vector.shape_cast %get3A_13 : vector<1x1000x128xf32> to vector<1000x128xf32>
    %add3A_15 = arith.addf %get3A_9, %get3A_14 : vector<1000x128xf32>
    %get3A_16 = arith.constant 0 : index
    %get3A_17 = arith.constant 0 : index
    %get3A_18 = vector.load %arg2[%get3A_16, %get3A_17] : memref<1000x128xf32, #tpu.memory_space<vmem>>, vector<1000x128xf32>
    %add3A_19 = arith.addf %add3A_15, %get3A_18 : vector<1000x128xf32>
    %mul3A = vector.broadcast %rsqrt3A : vector<1000x1xf32> to vector<1000x128xf32>
    %mul3A_20 = arith.mulf %mul3A, %add3A_19 : vector<1000x128xf32>
    %get3A_21 = arith.constant 0 : index
    %get3A_22 = arith.constant 0 : index
    %get3A_23 = vector.load %arg4[%get3A_21, %get3A_22] : memref<1x128xf32, #tpu.memory_space<vmem>>, vector<1x128xf32>
    %add3A_24 = vector.broadcast %get3A_23 : vector<1x128xf32> to vector<1000x128xf32>
    %add3A_25 = arith.addf %mul3A_20, %add3A_24 : vector<1000x128xf32>
    %max3A = arith.constant 0.000000e+00 : f32
    %max3A_26 = vector.broadcast %max3A : f32 to vector<1000x128xf32>
    %max3A_27 = arith.maximumf %add3A_25, %max3A_26 : vector<1000x128xf32>
    %get3A_28 = arith.constant 0 : index
    %get3A_29 = arith.constant 0 : index
    %get3A_30 = vector.load %arg5[%get3A_28, %get3A_29] : memref<128x128xf32, #tpu.memory_space<vmem>>, vector<128x128xf32>
    %dot_general3A = arith.constant dense<0.000000e+00> : vector<1000x128xf32>
    %dot_general3A_31 = tpu.matmul %max3A_27, %get3A_30, %dot_general3A {dimension_numbers = #tpu.dot_dimension_numbers<[1], [0], [0], [1], [0, 0, 1, 1], [], []>, transpose_lhs_hint = false} : vector<1000x128xf32>, vector<128x128xf32>, vector<1000x128xf32> -> vector<1000x128xf32>
    %mul3A_32 = vector.broadcast %rsqrt3A : vector<1000x1xf32> to vector<1000x128xf32>
    %mul3A_33 = arith.mulf %dot_general3A_31, %mul3A_32 : vector<1000x128xf32>
    %swap3A = arith.constant 0 : index
    %swap3A_34 = arith.constant 0 : index
    %swap3A_35 = vector.load %arg6[%swap3A, %swap3A_34] : memref<1000x128xf32, #tpu.memory_space<vmem>>, vector<1000x128xf32>
    tpu.vector_store %arg6[%swap3A, %swap3A_34], %mul3A_33 {strides = array<i32>} : memref<1000x128xf32, #tpu.memory_space<vmem>>, vector<1000x128xf32>,
    return
  }
  func.func @transform_0(%arg0: i32) -> (i32, i32, i32) {
    %c0_i32 = arith.constant 0 : i32
    %c0_i32_0 = arith.constant 0 : i32
    %c0_i32_1 = arith.constant 0 : i32
    return %c0_i32, %arg0, %c0_i32_0 : i32, i32, i32
  }
  func.func @transform_1(%arg0: i32) -> (i32, i32) {
    %c0_i32 = arith.constant 0 : i32
    %c0_i32_0 = arith.constant 0 : i32
    return %arg0, %c0_i32 : i32, i32
  }
  func.func @transform_2(%arg0: i32) -> (i32, i32) {
    %c0_i32 = arith.constant 0 : i32
    %c0_i32_0 = arith.constant 0 : i32
    return %arg0, %c0_i32 : i32, i32
  }
  func.func @transform_3(%arg0: i32) -> (i32, i32) {
    %c0_i32 = arith.constant 0 : i32
    %c0_i32_0 = arith.constant 0 : i32
    %c0_i32_1 = arith.constant 0 : i32
    return %c0_i32, %c0_i32_0 : i32, i32
  }
  func.func @transform_4(%arg0: i32) -> (i32, i32) {
    %c0_i32 = arith.constant 0 : i32
    %c0_i32_0 = arith.constant 0 : i32
    %c0_i32_1 = arith.constant 0 : i32
    return %c0_i32, %c0_i32_0 : i32, i32
  }
  func.func @transform_5(%arg0: i32) -> (i32, i32) {
    %c0_i32 = arith.constant 0 : i32
    %c0_i32_0 = arith.constant 0 : i32
    return %arg0, %c0_i32 : i32, i32
  }
}

module attributes {stable_mosaic.version = 14 : i64} {
  func.func @_tc3_body(%arg0: i32, %arg1: memref<2x1000x128xf32, #tpu.memory_space<vmem>>, %arg2: memref<1000x128xf32, #tpu.memory_space<vmem>>, %arg3: memref<1000x32xf32, #tpu.memory_space<vmem>>, %arg4: memref<1x128xf32, #tpu.memory_space<vmem>>, %arg5: memref<1x1x1000xi32, #tpu.memory_space<vmem>>, %arg6: memref<128x128xf32, #tpu.memory_space<vmem>>, %arg7: memref<1x128xf32, #tpu.memory_space<vmem>>, %arg8: memref<128x64xf32, #tpu.memory_space<vmem>>, %arg9: memref<1x64xf32, #tpu.memory_space<vmem>>, %arg10: memref<64x64xf32, #tpu.memory_space<vmem>>, %arg11: memref<64x128xf32, #tpu.memory_space<vmem>>, %arg12: memref<64x1xf32, #tpu.memory_space<vmem>>) attributes {dimension_semantics = [#tpu.dimension_semantics<arbitrary>], iteration_bounds = array<i64: 10>, scalar_prefetch = 0 : i64, scratch_operands = 2 : i64, tpu.core_type = #tpu.core_type<tc>, window_params = [{transform_indices = @transform_0, window_bounds = array<i64: 2, 1000, 128>}, {transform_indices = @transform_1, window_bounds = array<i64: 1000, 128>}, {transform_indices = @transform_2, window_bounds = array<i64: 1000, 32>}, {pipeline_mode = #tpu.pipeline_mode<synchronous>, transform_indices = @transform_3, window_bounds = array<i64: 1, 128>}, {transform_indices = @transform_4, window_bounds = array<i64: 1, 1, 1000>}, {pipeline_mode = #tpu.pipeline_mode<synchronous>, transform_indices = @transform_5, window_bounds = array<i64: 128, 128>}, {pipeline_mode = #tpu.pipeline_mode<synchronous>, transform_indices = @transform_6, window_bounds = array<i64: 1, 128>}, {pipeline_mode = #tpu.pipeline_mode<synchronous>, transform_indices = @transform_7, window_bounds = array<i64: 128, 64>}, {pipeline_mode = #tpu.pipeline_mode<synchronous>, transform_indices = @transform_8, window_bounds = array<i64: 1, 64>}, {pipeline_mode = #tpu.pipeline_mode<synchronous>, transform_indices = @transform_9, window_bounds = array<i64: 64, 64>}]} {
    %eq3A = arith.constant 0 : i32
    %eq3A_0 = arith.cmpi eq, %arg0, %eq3A : i32
    %convert_element_type3A = arith.extui %eq3A_0 : i1 to i32
    %cond3A = arith.constant 0 : i32
    %cond3A_1 = arith.cmpi ne, %convert_element_type3A, %cond3A : i32
    scf.if %cond3A_1 {
      %broadcast_in_dim3A_61 = arith.constant 0.000000e+00 : f32
      %broadcast_in_dim3A_62 = vector.broadcast %broadcast_in_dim3A_61 : f32 to vector<64x128xf32>
      %swap3A_63 = arith.constant 0 : index
      %swap3A_64 = arith.constant 0 : index
      %swap3A_65 = vector.load %arg11[%swap3A_63, %swap3A_64] : memref<64x128xf32, #tpu.memory_space<vmem>>, vector<64x128xf32>
      tpu.vector_store %arg11[%swap3A_63, %swap3A_64], %broadcast_in_dim3A_62 {strides = array<i32>} : memref<64x128xf32, #tpu.memory_space<vmem>>, vector<64x128xf32>,
      %broadcast_in_dim3A_66 = arith.constant 0.000000e+00 : f32
      %broadcast_in_dim3A_67 = vector.broadcast %broadcast_in_dim3A_66 : f32 to vector<64x1xf32>
      %swap3A_68 = arith.constant 0 : index
      %swap3A_69 = arith.constant 0 : index
      %swap3A_70 = vector.load %arg12[%swap3A_68, %swap3A_69] : memref<64x1xf32, #tpu.memory_space<vmem>>, vector<64x1xf32>
      tpu.vector_store %arg12[%swap3A_68, %swap3A_69], %broadcast_in_dim3A_67 {strides = array<i32>} : memref<64x1xf32, #tpu.memory_space<vmem>>, vector<64x1xf32>,
    } else {
    }
    %get3A = arith.constant 0 : index
    %get3A_2 = arith.constant 0 : index
    %get3A_3 = vector.load %arg3[%get3A, %get3A_2] : memref<1000x32xf32, #tpu.memory_space<vmem>>, vector<1000x32xf32>
    %reduce_sum3A = arith.constant dense<0.000000e+00> : vector<1000xf32>
    %reduce_sum3A_4 = vector.multi_reduction <add>, %get3A_3, %reduce_sum3A [1] : vector<1000x32xf32> to vector<1000xf32>
    %broadcast_in_dim3A = vector.shape_cast %reduce_sum3A_4 : vector<1000xf32> to vector<1000x1xf32>
    %add3A = arith.constant 1.000000e+00 : f32
    %add3A_5 = vector.broadcast %add3A : f32 to vector<1000x1xf32>
    %add3A_6 = arith.addf %broadcast_in_dim3A, %add3A_5 : vector<1000x1xf32>
    %rsqrt3A = math.rsqrt %add3A_6 : vector<1000x1xf32>
    %get3A_7 = arith.constant 0 : index
    %get3A_8 = arith.constant 0 : index
    %get3A_9 = arith.constant 0 : index
    %get3A_10 = vector.load %arg1[%get3A_7, %get3A_8, %get3A_9] : memref<2x1000x128xf32, #tpu.memory_space<vmem>>, vector<1x1000x128xf32>
    %get3A_11 = vector.shape_cast %get3A_10 : vector<1x1000x128xf32> to vector<1000x128xf32>
    %get3A_12 = arith.constant 1 : index
    %get3A_13 = arith.constant 0 : index
    %get3A_14 = arith.constant 0 : index
    %get3A_15 = vector.load %arg1[%get3A_12, %get3A_13, %get3A_14] : memref<2x1000x128xf32, #tpu.memory_space<vmem>>, vector<1x1000x128xf32>
    %get3A_16 = vector.shape_cast %get3A_15 : vector<1x1000x128xf32> to vector<1000x128xf32>
    %add3A_17 = arith.addf %get3A_11, %get3A_16 : vector<1000x128xf32>
    %get3A_18 = arith.constant 0 : index
    %get3A_19 = arith.constant 0 : index
    %get3A_20 = vector.load %arg2[%get3A_18, %get3A_19] : memref<1000x128xf32, #tpu.memory_space<vmem>>, vector<1000x128xf32>
    %add3A_21 = arith.addf %add3A_17, %get3A_20 : vector<1000x128xf32>
    %mul3A = vector.broadcast %rsqrt3A : vector<1000x1xf32> to vector<1000x128xf32>
    %mul3A_22 = arith.mulf %mul3A, %add3A_21 : vector<1000x128xf32>
    %get3A_23 = arith.constant 0 : index
    %get3A_24 = arith.constant 0 : index
    %get3A_25 = vector.load %arg4[%get3A_23, %get3A_24] : memref<1x128xf32, #tpu.memory_space<vmem>>, vector<1x128xf32>
    %add3A_26 = vector.broadcast %get3A_25 : vector<1x128xf32> to vector<1000x128xf32>
    %add3A_27 = arith.addf %mul3A_22, %add3A_26 : vector<1000x128xf32>
    %max3A = arith.constant 0.000000e+00 : f32
    %max3A_28 = vector.broadcast %max3A : f32 to vector<1000x128xf32>
    %max3A_29 = arith.maximumf %add3A_27, %max3A_28 : vector<1000x128xf32>
    %get3A_30 = arith.constant 0 : index
    %get3A_31 = arith.constant 0 : index
    %get3A_32 = arith.constant 0 : index
    %get3A_33 = vector.load %arg5[%get3A_30, %get3A_31, %get3A_32] : memref<1x1x1000xi32, #tpu.memory_space<vmem>>, vector<1x1x1000xi32>
    %get3A_34 = vector.shape_cast %get3A_33 : vector<1x1x1000xi32> to vector<1x1000xi32>
    %iota3A = tpu.iota {dimensions = array<i32: 0>} : vector<64x1000xi32>
    %eq3A_35 = vector.broadcast %get3A_34 : vector<1x1000xi32> to vector<64x1000xi32>
    %eq3A_36 = arith.cmpi eq, %eq3A_35, %iota3A : vector<64x1000xi32>
    %convert_element_type3A_37 = arith.extui %eq3A_36 : vector<64x1000xi1> to vector<64x1000xi32>
    %convert_element_type3A_38 = arith.sitofp %convert_element_type3A_37 : vector<64x1000xi32> to vector<64x1000xf32>
    %get3A_39 = arith.constant 0 : index
    %get3A_40 = arith.constant 0 : index
    %get3A_41 = vector.load %arg11[%get3A_39, %get3A_40] : memref<64x128xf32, #tpu.memory_space<vmem>>, vector<64x128xf32>
    %dot_general3A = arith.constant dense<0.000000e+00> : vector<64x128xf32>
    %dot_general3A_42 = tpu.matmul %convert_element_type3A_38, %max3A_29, %dot_general3A {dimension_numbers = #tpu.dot_dimension_numbers<[1], [0], [0], [1], [0, 0, 1, 1], [], []>, transpose_lhs_hint = false} : vector<64x1000xf32>, vector<1000x128xf32>, vector<64x128xf32> -> vector<64x128xf32>
    %add3A_43 = arith.addf %get3A_41, %dot_general3A_42 : vector<64x128xf32>
    %swap3A = arith.constant 0 : index
    %swap3A_44 = arith.constant 0 : index
    %swap3A_45 = vector.load %arg11[%swap3A, %swap3A_44] : memref<64x128xf32, #tpu.memory_space<vmem>>, vector<64x128xf32>
    tpu.vector_store %arg11[%swap3A, %swap3A_44], %add3A_43 {strides = array<i32>} : memref<64x128xf32, #tpu.memory_space<vmem>>, vector<64x128xf32>,
    %get3A_46 = arith.constant 0 : index
    %get3A_47 = arith.constant 0 : index
    %get3A_48 = vector.load %arg12[%get3A_46, %get3A_47] : memref<64x1xf32, #tpu.memory_space<vmem>>, vector<64x1xf32>
    %reduce_sum3A_49 = arith.constant dense<0.000000e+00> : vector<64xf32>
    %reduce_sum3A_50 = vector.multi_reduction <add>, %convert_element_type3A_38, %reduce_sum3A_49 [1] : vector<64x1000xf32> to vector<64xf32>
    %broadcast_in_dim3A_51 = vector.shape_cast %reduce_sum3A_50 : vector<64xf32> to vector<64x1xf32>
    %add3A_52 = arith.addf %get3A_48, %broadcast_in_dim3A_51 : vector<64x1xf32>
    %swap3A_53 = arith.constant 0 : index
    %swap3A_54 = arith.constant 0 : index
    %swap3A_55 = vector.load %arg12[%swap3A_53, %swap3A_54] : memref<64x1xf32, #tpu.memory_space<vmem>>, vector<64x1xf32>
    tpu.vector_store %arg12[%swap3A_53, %swap3A_54], %add3A_52 {strides = array<i32>} : memref<64x1xf32, #tpu.memory_space<vmem>>, vector<64x1xf32>,
    %eq3A_56 = arith.constant 9 : i32
    %eq3A_57 = arith.cmpi eq, %arg0, %eq3A_56 : i32
    %convert_element_type3A_58 = arith.extui %eq3A_57 : i1 to i32
    %cond3A_59 = arith.constant 0 : i32
    %cond3A_60 = arith.cmpi ne, %convert_element_type3A_58, %cond3A_59 : i32
    scf.if %cond3A_60 {
      %get3A_61 = arith.constant 0 : index
      %get3A_62 = arith.constant 0 : index
      %get3A_63 = vector.load %arg11[%get3A_61, %get3A_62] : memref<64x128xf32, #tpu.memory_space<vmem>>, vector<64x128xf32>
      %get3A_64 = arith.constant 0 : index
      %get3A_65 = arith.constant 0 : index
      %get3A_66 = vector.load %arg12[%get3A_64, %get3A_65] : memref<64x1xf32, #tpu.memory_space<vmem>>, vector<64x1xf32>
      %max3A_67 = arith.constant 1.000000e+00 : f32
      %max3A_68 = vector.broadcast %max3A_67 : f32 to vector<64x1xf32>
      %max3A_69 = arith.maximumf %get3A_66, %max3A_68 : vector<64x1xf32>
      %div3A = vector.broadcast %max3A_69 : vector<64x1xf32> to vector<64x128xf32>
      %div3A_70 = arith.divf %get3A_63, %div3A : vector<64x128xf32>
      %get3A_71 = arith.constant 0 : index
      %get3A_72 = arith.constant 0 : index
      %get3A_73 = vector.load %arg6[%get3A_71, %get3A_72] : memref<128x128xf32, #tpu.memory_space<vmem>>, vector<128x128xf32>
      %dot_general3A_74 = arith.constant dense<0.000000e+00> : vector<64x128xf32>
      %dot_general3A_75 = tpu.matmul %div3A_70, %get3A_73, %dot_general3A_74 {dimension_numbers = #tpu.dot_dimension_numbers<[1], [0], [0], [1], [0, 0, 1, 1], [], []>, transpose_lhs_hint = false} : vector<64x128xf32>, vector<128x128xf32>, vector<64x128xf32> -> vector<64x128xf32>
      %get3A_76 = arith.constant 0 : index
      %get3A_77 = arith.constant 0 : index
      %get3A_78 = vector.load %arg7[%get3A_76, %get3A_77] : memref<1x128xf32, #tpu.memory_space<vmem>>, vector<1x128xf32>
      %add3A_79 = vector.broadcast %get3A_78 : vector<1x128xf32> to vector<64x128xf32>
      %add3A_80 = arith.addf %dot_general3A_75, %add3A_79 : vector<64x128xf32>
      %max3A_81 = arith.constant 0.000000e+00 : f32
      %max3A_82 = vector.broadcast %max3A_81 : f32 to vector<64x128xf32>
      %max3A_83 = arith.maximumf %add3A_80, %max3A_82 : vector<64x128xf32>
      %get3A_84 = arith.constant 0 : index
      %get3A_85 = arith.constant 0 : index
      %get3A_86 = vector.load %arg8[%get3A_84, %get3A_85] : memref<128x64xf32, #tpu.memory_space<vmem>>, vector<128x64xf32>
      %dot_general3A_87 = arith.constant dense<0.000000e+00> : vector<64x64xf32>
      %dot_general3A_88 = tpu.matmul %max3A_83, %get3A_86, %dot_general3A_87 {dimension_numbers = #tpu.dot_dimension_numbers<[1], [0], [0], [1], [0, 0, 1, 1], [], []>, transpose_lhs_hint = false} : vector<64x128xf32>, vector<128x64xf32>, vector<64x64xf32> -> vector<64x64xf32>
      %get3A_89 = arith.constant 0 : index
      %get3A_90 = arith.constant 0 : index
      %get3A_91 = vector.load %arg9[%get3A_89, %get3A_90] : memref<1x64xf32, #tpu.memory_space<vmem>>, vector<1x64xf32>
      %add3A_92 = vector.broadcast %get3A_91 : vector<1x64xf32> to vector<64x64xf32>
      %add3A_93 = arith.addf %dot_general3A_88, %add3A_92 : vector<64x64xf32>
      %swap3A_94 = arith.constant 0 : index
      %swap3A_95 = arith.constant 0 : index
      %swap3A_96 = vector.load %arg10[%swap3A_94, %swap3A_95] : memref<64x64xf32, #tpu.memory_space<vmem>>, vector<64x64xf32>
      tpu.vector_store %arg10[%swap3A_94, %swap3A_95], %add3A_93 {strides = array<i32>} : memref<64x64xf32, #tpu.memory_space<vmem>>, vector<64x64xf32>,
    } else {
    }
    return
  }
  func.func @transform_0(%arg0: i32) -> (i32, i32, i32) {
    %c0_i32 = arith.constant 0 : i32
    %c0_i32_0 = arith.constant 0 : i32
    %c0_i32_1 = arith.constant 0 : i32
    return %c0_i32, %arg0, %c0_i32_0 : i32, i32, i32
  }
  func.func @transform_1(%arg0: i32) -> (i32, i32) {
    %c0_i32 = arith.constant 0 : i32
    %c0_i32_0 = arith.constant 0 : i32
    return %arg0, %c0_i32 : i32, i32
  }
  func.func @transform_2(%arg0: i32) -> (i32, i32) {
    %c0_i32 = arith.constant 0 : i32
    %c0_i32_0 = arith.constant 0 : i32
    return %arg0, %c0_i32 : i32, i32
  }
  func.func @transform_3(%arg0: i32) -> (i32, i32) {
    %c0_i32 = arith.constant 0 : i32
    %c0_i32_0 = arith.constant 0 : i32
    %c0_i32_1 = arith.constant 0 : i32
    return %c0_i32, %c0_i32_0 : i32, i32
  }
  func.func @transform_4(%arg0: i32) -> (i32, i32, i32) {
    %c0_i32 = arith.constant 0 : i32
    %c0_i32_0 = arith.constant 0 : i32
    %c0_i32_1 = arith.constant 0 : i32
    return %arg0, %c0_i32, %c0_i32_0 : i32, i32, i32
  }
  func.func @transform_5(%arg0: i32) -> (i32, i32) {
    %c0_i32 = arith.constant 0 : i32
    %c0_i32_0 = arith.constant 0 : i32
    %c0_i32_1 = arith.constant 0 : i32
    return %c0_i32, %c0_i32_0 : i32, i32
  }
  func.func @transform_6(%arg0: i32) -> (i32, i32) {
    %c0_i32 = arith.constant 0 : i32
    %c0_i32_0 = arith.constant 0 : i32
    %c0_i32_1 = arith.constant 0 : i32
    return %c0_i32, %c0_i32_0 : i32, i32
  }
  func.func @transform_7(%arg0: i32) -> (i32, i32) {
    %c0_i32 = arith.constant 0 : i32
    %c0_i32_0 = arith.constant 0 : i32
    %c0_i32_1 = arith.constant 0 : i32
    return %c0_i32, %c0_i32_0 : i32, i32
  }
  func.func @transform_8(%arg0: i32) -> (i32, i32) {
    %c0_i32 = arith.constant 0 : i32
    %c0_i32_0 = arith.constant 0 : i32
    %c0_i32_1 = arith.constant 0 : i32
    return %c0_i32, %c0_i32_0 : i32, i32
  }
  func.func @transform_9(%arg0: i32) -> (i32, i32) {
    %c0_i32 = arith.constant 0 : i32
    %c0_i32_0 = arith.constant 0 : i32
    %c0_i32_1 = arith.constant 0 : i32
    return %c0_i32, %c0_i32_0 : i32, i32
  }
}

</mosaic_0001>

<sc_bundles>
// kernel: kernel.12.cloned.1.call-start
scs
__scs_entry_jumppad:
0x0: {  	(pc) =	sbr.rel $0x88, $3  }
0x1: {  	(tag) =	ssettag $0x0;
	lr =	simm.s32 $0x1  }
0x2: {  	[smem:$0x3F96] =	sst lr;
	_ =	strace $0xD0000000  }
0x3: {  	_ = 	snop  }
0x4: {  	_ = 	snop  }
0x5: {  	_ = 	snop  }
0x6: {  	_ = 	snop  }
0x7: {  	_ = 	snop  }
__scs_overlays_trampoline_lowered:
0x8: {  	[smem:$0x3FA5] =	sst s0  }
0x9: {  	[smem:$0x3FA6] =	sst s1  }
0xa: {  	[smem:$0x3FA7] =	sst s2  }
0xb: {  	[smem:$0x3FA8] =	sst s3  }
0xc: {  	[smem:$0x3FA9] =	sst s4  }
0xd: {  	[smem:$0x3FAA] =	sst s5  }
0xe: {  	[smem:$0x3FAB] =	sst s6  }
0xf: {  	[smem:$0x3FAC] =	sst s7  }
0x10: {  	[smem:$0x3FAD] =	sst s8  }
0x11: {  	[smem:$0x3FAE] =	sst s9;
	s0 =	simm.s32 @!p0 $0x0  }
0x12: {  	s1 =	sld [smem:$0x3F94];
	s0 =	simm.s32 @p0 $0x1  }
0x13: {  	[smem:$0x3FAF] =	sst s0;
	s0 =	simm.s32 @!p1 $0x0  }
0x14: {  	s2 =	sld [smem:$0x3F93];
	s0 =	simm.s32 @p1 $0x1  }
0x15: {  	[smem:$0x3FB0] =	sst s0;
	s0 =	simm.s32 @!p2 $0x0  }
0x16: {  	s3 =	sld [smem:$0x3FDB];
	s0 =	simm.s32 @p2 $0x1  }
0x17: {  	s4 =	simm.s32 $0x1BF5;
	[smem:$0x3FB2] =	sst s0  }
0x18: {  	s0 =	sld [smem:$0x3F95];
	_ =	swait.ge [sflag:s4], $0x0  }
0x19: {  	s7 =	sld [smem:$0x3F96]  }
0x1a: {  	s8 =	sadd.s32 $0xFFFFE003, lr  }
0x1b: {  	s9 =	sadd.s32 $0xFFFFFEF7, lr;
	s5 =	simm.s32 $0xFFFFFFFF;
	p2 =	slt.u32 s8, $0xFFFFF086  }
0x1c: {  	p1 =	slt.u32 s9, $0xF7A;
	s5 =	simm.s32 @!p2 $0x0  }
0x1d: {  	s5 =	simm.s32 @p1 $0x1;
	p0 =	seq.s32 s7, s2  }
0x1e: {  	s7 =	smul.u32 @!p0 $0xF7A, s2;
	p2 =	seq.s32 @!p0 s5, $0x0  }
0x1f: {  	s9 =	smul.u32 $0xF7A, s1;
	s8 =	simm.s32 @!p0 $0x1BF5;
	p2 =	por !p2, p0  }
0x20: {  	[sflag:s8] =	ssyncset.s32 @!p0 $0xFFFFF086;
	s6 =	sadd.s32 @!p0 s3, s7;
	s7 =	simm.s32 @!p0 $0x108  }
0x21: {  	s3 =	sadd.s32 s3, s9;
	s6 =	sadd.s32 @!p0 $0x88, s6;
	s7 =	simm.s32 @p2 $0x1082  }
0x22: {  	[simem:s7], [sflag:s8] =	dma.local @!p0 [hbm:s6], $0xF7A  }
0x23: {  	s9 =	sor.u32 $0xD0000000, s2;
	s6 =	simm.s32 $0x108;
	_ =	swait.ge @!p0 [sflag:s8], $0x0  }
0x24: {  	s3 =	sadd.s32 $0x88, s3;
	s6 =	simm.s32 @!p1 $0x1082;
	[sflag:s4] =	ssyncset.s32 $0xFFFFF086  }
0x25: {  	[simem:s6], [sflag:s4] =	dma.local [hbm:s3], $0xF7A  }
0x26: {  	[smem:$0x3F96] =	sst s1;
	(tag) =	ssettag s2;
	_ =	strace s9  }
0x27: {  	s1 =	sld [smem:$0x3FA6]  }
0x28: {  	s2 =	sld [smem:$0x3FA7]  }
0x29: {  	s4 =	sld [smem:$0x3FA9]  }
0x2a: {  	p0 =	seq.s32 s5, $0x0;
	s5 =	sld [smem:$0x3FAA]  }
0x2b: {  	s6 =	sld [smem:$0x3FAB]  }
0x2c: {  	s7 =	sld [smem:$0x3FAC]  }
0x2d: {  	s3 =	simm.s32 $0x108;
	s8 =	sld [smem:$0x3FAD]  }
0x2e: {  	s3 =	simm.s32 @!p0 $0x1082;
	s9 =	sld [smem:$0x3FAE]  }
0x2f: {  	lr =	sadd.s32 s0, s3;
	s0 =	sld [smem:$0x3FA5]  }
0x30: {  	s3 =	sld [smem:$0x3FA8]  }
0x31: {  	[smem:$0x3FB1] =	sst s10  }
0x32: {  	s10 =	sld [smem:$0x3FAF];
	_ =	sdelay $0x3  }
0x33: {  	p0 =	seq.s32 s10, $0x1;
	s10 =	sld [smem:$0x3FB1];
	_ =	sdelay $0x3  }
0x34: {  	[smem:$0x3FB1] =	sst s10  }
0x35: {  	s10 =	sld [smem:$0x3FB0];
	_ =	sdelay $0x3  }
0x36: {  	p1 =	seq.s32 s10, $0x1;
	s10 =	sld [smem:$0x3FB1];
	_ =	sdelay $0x3  }
0x37: {  	[smem:$0x3FB1] =	sst s10  }
0x38: {  	s10 =	sld [smem:$0x3FB2]  }
0x39: {  	_ = 	snop;
	(pc) =	sbr.ind lr, $3  }
0x3a: {  	_ = 	snop  }
0x3b: {  	_ = 	snop  }
0x3c: {  	p2 =	seq.s32 s10, $0x1;
	s10 =	sld [smem:$0x3FB1]  }
0x3d: {  	_ =	shalt  }
0x3e: {  	_ =	shalt  }
0x3f: {  	_ =	shalt  }
0x40: {  	_ =	shalt  }
0x41: {  	_ =	shalt  }
0x42: {  	_ =	shalt  }
0x43: {  	_ =	shalt  }
0x44: {  	_ =	shalt  }
0x45: {  	_ =	shalt  }
0x46: {  	_ =	shalt  }
0x47: {  	_ =	shalt  }
0x48: {  	_ =	shalt  }
0x49: {  	_ =	shalt  }
0x4a: {  	_ =	shalt  }
0x4b: {  	_ =	shalt  }
0x4c: {  	_ =	shalt  }
0x4d: {  	_ =	shalt  }
0x4e: {  	_ =	shalt  }
0x4f: {  	_ =	shalt  }
0x50: {  	_ =	shalt  }
0x51: {  	_ =	shalt  }
0x52: {  	_ =	shalt  }
0x53: {  	_ =	shalt  }
0x54: {  	_ =	shalt  }
0x55: {  	_ =	shalt  }
0x56: {  	_ =	shalt  }
0x57: {  	_ =	shalt  }
0x58: {  	_ =	shalt  }
0x59: {  	_ =	shalt  }
0x5a: {  	_ =	shalt  }
0x5b: {  	_ =	shalt  }
0x5c: {  	_ =	shalt  }
0x5d: {  	_ =	shalt  }
0x5e: {  	_ =	shalt  }
0x5f: {  	_ =	shalt  }
0x60: {  	_ =	shalt  }
0x61: {  	_ =	shalt  }
0x62: {  	_ =	shalt  }
0x63: {  	_ =	shalt  }
0x64: {  	_ =	shalt  }
0x65: {  	_ =	shalt  }
0x66: {  	_ =	shalt  }
0x67: {  	_ =	shalt  }
0x68: {  	_ =	shalt  }
0x69: {  	_ =	shalt  }
0x6a: {  	_ =	shalt  }
0x6b: {  	_ =	shalt  }
0x6c: {  	_ =	shalt  }
0x6d: {  	_ =	shalt  }
0x6e: {  	_ =	shalt  }
0x6f: {  	_ =	shalt  }
0x70: {  	_ =	shalt  }
0x71: {  	_ =	shalt  }
0x72: {  	_ =	shalt  }
0x73: {  	_ =	shalt  }
0x74: {  	_ =	shalt  }
0x75: {  	_ =	shalt  }
0x76: {  	_ =	shalt  }
0x77: {  	_ =	shalt  }
0x78: {  	_ =	shalt  }
0x79: {  	_ =	shalt  }
0x7a: {  	_ =	shalt  }
0x7b: {  	_ =	shalt  }
0x7c: {  	_ =	shalt  }
0x7d: {  	_ =	shalt  }
0x7e: {  	_ =	shalt  }
0x7f: {  	_ =	shalt  }
0x80: {  	_ =	shalt  }
0x81: {  	_ =	shalt  }
0x82: {  	_ =	shalt  }
0x83: {  	_ =	shalt  }
0x84: {  	_ =	shalt  }
0x85: {  	_ =	shalt  }
0x86: {  	_ =	shalt  }
0x87: {  	_ =	shalt  }
.Lfunc_end0:
.L_simem_size_0:
called_computation.1_lowered:
.L_overlay_start_0:
0x88: {  	s2 =	sld [smem:$0x3FD9]  }
0x89: {  	s3 =	sld [smem:$0x3FFE];
	_ =	sdelay $0x1  }
0x8a: {  	s1 =	srdreg.scid  }
0x8b: {  	s0 =	sand.u32 $0x1, s1  }
0x8c: {  	s16 =	sshll.u32 s0, $0xA;
	s2 =	sadd.s32 s3, s2  }
0x8d: {  	s2 =	sadd.s32 s2, s16  }
0x8e: {  	[smem:$0x3FBD] =	sst s2  }
0x8f: {  	_ = 	snop  }
0x90: {  	(tm) =	ssettm $0x1  }
0x91: {  	s17 =	sld [smem:$0x3FFB];
	_ =	sdelay $0x3  }
0x92: {  	_ =	strace s17  }
0x93: {  	s2 =	sld [smem:$0x3FFC];
	_ =	sdelay $0x3  }
0x94: {  	_ =	strace s2  }
0x95: {  	s2 =	sld [smem:$0x3FFD];
	_ =	sdelay $0x3  }
0x96: {  	_ =	strace s2  }
0x97: {  	_ =	strace $0x8FFFFFFF  }
0x98: {  	s18 =	sld [smem:$0x3FDB];
	_ =	sdelay $0x1  }
0x99: {  	s19 =	simm.s32 $_scs_section_size  }
0x9a: {  	s4 =	simm.s32 $_size__tile_overlayer_lowered;
	s5 =	simm.s32 $_tile_overlayer_lowered  }
0x9b: {  	s22 =	simm.s32 $0x1BFF;
	s21 =	sshll.u32 s5, $0x1;
	s2 =	sadd.s32 s19, s18  }
0x9c: {  	s6 =	simm.s32 $0x0;
	s20 =	sshll.u32 s4, $0x1;
	s4 =	sadd.s32 s21, s2  }
0x9d: {  	[timem:s6], [sflag:s22] =	dma.local [hbm:s4], s20  }
0x9e: {  	_ =	swait.ge [sflag:s22], s20  }
0x9f: {  	s3 =	ssub.s32 $0x0, s20;
	[sflag:s22] =	ssyncset.done $0x0  }
0xa0: {  	[sflag:s22] =	ssyncadd.s32 s3;
	_ =	sdelay $0x1  }
0xa1: {  	s23 =	simm.s32 $0x1B8B  }
0xa2: {  	_ =	swait.ge [sflag:s23], $0x1  }
0xa3: {  	[sflag:s23] =	ssyncset.done $0x0  }
0xa4: {  	s25 =	simm.s32 $0x1B8E;
	s24 =	sld [smem:$0x3FFE];
	[sflag:s23] =	ssyncadd.s32 $0xFFFFFFFF  }
0xa5: {  	s26 =	simm.s32 $execute0_lowered;
	[smem:$0x3FD2] =	sst s25  }
0xa6: {  	s4 =	sshll.u32 s26, $0x1;
	_ =	strace $0x80000049;
	[dreg:$0x1] =	wrdreg $0xFFFFFFFF  }
0xa7: {  	s28 =	simm.s32 $_size_execute0_lowered;
	s2 =	sadd.s32 s2, s4;
	[dreg:$0x0] =	wrdreg $0x0  }
0xa8: {  	s4 =	sshll.u32 s28, $0x1;
	[dreg:$0x2] =	wrdreg s2  }
0xa9: {  	[dreg:$0x3] =	wrdreg s4  }
0xaa: {  	[dreg:$0x4] =	wrdreg $0xC0  }
0xab: {  	_ =	task [dreg:s6], $0x5FFFF  }
0xac: {  	[dreg:$0x1] =	wrdreg $0xFFFFFFFF  }
0xad: {  	[dreg:$0x0] =	wrdreg $0x60  }
0xae: {  	[dreg:$0x2] =	wrdreg s24  }
0xaf: {  	[dreg:$0x3] =	wrdreg $0xA8000  }
0xb0: {  	[dreg:$0x4] =	wrdreg $0x9  }
0xb1: {  	_ =	task.clear_ibuf [dreg:s6], $0x5FFFF;
	_ =	strace $0x90000049  }
0xb2: {  	s29 =	simm.s32 $0x9;
	_ =	strace $0x8000004B  }
0xb3: {  	_ =	swait.ge [sflag:s29], $0x1  }
0xb4: {  	[sflag:s29] =	ssyncadd.s32 $0xFFFFFFFF  }
0xb5: {  	_ =	strace $0x9000004B  }
0xb6: {  	_ =	sfence  }
0xb7: {  	s30 =	sld [smem:$0x0];
	_ =	sdelay $0x2  }
0xb8: {  	s31 =	sshll.u32 s1, $0xD;
	s1 =	sshrl.u32 s1, $0x2  }
0xb9: {  	s3 =	sand.u32 $0x4000, s31;
	s1 =	sadd.s32 s1, s30  }
0xba: {  	s0 =	sor.u32 s3, s0;
	s1 =	sshll.u32 s1, $0x11  }
0xbb: {  	s0 =	sor.u32 s1, s0  }
0xbc: {  	s0 =	sadd.s32 $0x8F2B, s0  }
0xbd: {  	[sflag:s0] =	ssyncadd.remote.s32 $0x1  }
0xbe: {  	_ =	sfence.sel $0xFFFF  }
0xbf: {  	[dreg:$0x0] =	wrdreg $0xFFFFFFFF;
	(pc) =	sbr.abs _section_cstart, $3  }
0xc0: {  	[dreg:$0x1] =	wrdreg $0xFFFFFFFF  }
0xc1: {  	_ =	task.clear_ibuf [dreg:s6], $0x2FFFF;
	_ =	strace $0x9FFFFFFF  }
0xc2: {  	(tm) =	ssettm $0x7FFFFFFF  }
0xc3: {  	_ =	shalt  }
tec
execute0_lowered:
.L_overlay_start_1:
0x0: {  	(tag) =	ssettag $0x1  }
0x1: {  	s5 =	rddreg [dreg:$0x0]  }
0x2: {  	s2 =	rddreg [dreg:$0x1]  }
0x3: {  	s0 =	rddreg [dreg:$0x2]  }
0x4: {  	s3 =	simm.s32 $0x0;
	s1 =	stileid.u32;
	s4 =	srdreg.scid  }
0x5: {  	s15 =	simm.s32 $0x2800;
	s18 =	simm.s32 $0x1;
	s19 =	simm.s32 $0x6800  }
0x6: {  	s20 =	simm.s32 $0x2;
	s21 =	simm.s32 $0x1380;
	s22 =	simm.s32 $0x2700  }
0x7: {  	s23 =	simm.s32 $0x2780;
	s24 =	simm.s32 $0x0;
	[smem:$0x7FF] =	sst s3  }
0x8: {  	s6 =	smul.u32 $0x13C00, s1;
	s8 =	sadd.s32 $0x17200, s5;
	s9 =	sadd.s32 $0x3400, s5  }
0x9: {  	s7 =	sand.u32 $0x1, s4;
	s4 =	sadd.s32 $0x21200, s5;
	s13 =	smul.u32 $0x4F000, s1  }
0xa: {  	s16 =	sshll.u32 s1, $0x6;
	_ =	strace $0x8000004A;
	s11 =	smul.u32 $0x13C000, s7  }
0xb: {  	s12 =	sshll.u32 s7, $0x4;
	s7 =	ssub.s32 $0x2, s7;
	s16 =	sor.u32 $0x1C03, s16  }
0xc: {  	s10 =	sshrl.u32 s6, $0x3;
	s12 =	sor.u32 s1, s12;
	s29 =	sshrl.u32 s7, $0x1  }
0xd: {  	s30 =	sshrl.u32 s13, $0x2;
	s13 =	simm.s32 $0x1400;
	s10 =	sadd.s32 s10, s5  }
0xe: {  	s6 =	sadd.s32 s6, s11;
	s28 =	smul.u32 $0x2800, s12;
	s12 =	ssub.s32 s7, s29  }
0xf: {  	s17 =	sadd.s32 s30, s2;
	s6 =	sshrl.u32 s6, $0x3;
	s7 =	sadd.s32 $0x48400, s10  }
0x10: {  	s17 =	sshrl.u32 s17, $0x3;
	s14 =	sadd.s32 s6, s5;
	s11 =	sshrl.u32 s28, $0x3  }
0x11: {  	s5 =	sadd.s32 s8, s11;
	s6 =	sadd.s32 s9, s11;
	s31 =	sadd.s32 $0x280, s11  }
0x12: {  	s10 =	sadd.s32 $0x6FC00, s14;
	s11 =	smax.u32 s12, $0x1;
	s12 =	simm.s32 $0x3  }
0x13: {  	s14 =	simm.s32 $0x80;
	s8 =	sadd.s32 s8, s31;
	s9 =	sadd.s32 s9, s31  }
.LBB2_1:
0x14: {  	[tilespmem:s3], [sflag:$0x3] =	stream.linear.gather [hbm4b:s5+s3], $0x1400, $0x38;
	[tilespmem:$0x1E400] =	vst v63  }
0x15: {  	_ =	swait.ge [sflag:s12], $0x1400  }
0x16: {  	[sflag:s12] =	ssyncset.done $0x0  }
0x17: {  	[sflag:s12] =	ssyncadd.s32 $0xFFFFEC00  }
0x18: {  	[tilespmem:s13], [sflag:$0x3] =	stream.linear.gather [hbm4b:s6+s3], $0x1400, $0x38;
	[tilespmem:$0x1E400] =	vst v63  }
0x19: {  	_ =	swait.ge [sflag:s12], $0x1400  }
0x1a: {  	[sflag:s12] =	ssyncset.done $0x0  }
0x1b: {  	[sflag:s12] =	ssyncadd.s32 $0xFFFFEC00  }
0x1c: {  	[tilespmem:s15], [sflag:$0x1] =	stream.indirect.gather [hbm4b:s4+s14], $0x80, s3, s14, $0xb8;
	[tilespmem:$0x1E400] =	vst v63  }
0x1d: {  	[spmem:s17], [sflag:s16] =	dma.local [hbm:s7], $0x2780  }
0x1e: {  	_ =	swait.ge [sflag:s12], $0x2780  }
0x1f: {  	[sflag:s12] =	ssyncset.done $0x0  }
0x20: {  	[sflag:s12] =	ssyncadd.s32 $0xFFFFD880  }
0x21: {  	[bflag:$0x0] =	sbarrier.arrive $0xFFFF  }
0x22: {  	_ =	swait.ge [sflag:s18], $0x4000  }
0x23: {  	[sflag:s18] =	ssyncset.done $0x0  }
0x24: {  	s25 =	simm.s32 $0x80;
	[sflag:s18] =	ssyncadd.s32 $0xFFFFC000  }
0x25: {  	[tilespmem:s19], [sflag:$0x2] =	stream.indirect.gather [hbm4b:s4+s14], $0x80, s25, s14, $0xb8;
	[tilespmem:$0x1E400] =	vst v63  }
0x26: {  	s29 =	simm.s32 $0x1400  }
0x27: {  	[spmem:s2] =	stream.indirect.scatter.add.f32 [tilespmem:s15], [sflag:$0x3], $0x80, s29, s14, $0xb8;
	[tilespmem:$0x1E400] =	vst v63  }
0x28: {  	_ =	swait.ge [sflag:s12], $0x4000  }
0x29: {  	[sflag:s12] =	ssyncset.done $0x0  }
0x2a: {  	[sflag:s12] =	ssyncadd.s32 $0xFFFFC000  }
0x2b: {  	_ =	swait.ge [sflag:s20], $0x4000  }
0x2c: {  	[sflag:s20] =	ssyncset.done $0x0  }
0x2d: {  	s30 =	simm.s32 $0x100;
	[sflag:s20] =	ssyncadd.s32 $0xFFFFC000  }
0x2e: {  	[tilespmem:s15], [sflag:$0x1] =	stream.indirect.gather [hbm4b:s4+s14], $0x80, s30, s14, $0xb8;
	[tilespmem:$0x1E400] =	vst v63  }
0x2f: {  	s31 =	simm.s32 $0x1480  }
0x30: {  	[spmem:s2] =	stream.indirect.scatter.add.f32 [tilespmem:s19], [sflag:$0x3], $0x80, s31, s14, $0xb8;
	[tilespmem:$0x1E400] =	vst v63  }
0x31: {  	_ =	swait.ge [sflag:s12], $0x4000  }
0x32: {  	s25 =	simm.s32 $0x400;
	[sflag:s12] =	ssyncset.done $0x0  }
.LBB2_2:
0x33: {  	p0 =	sne.s32 s25, $0x4800  }
0x34: {  	[sflag:s12] =	ssyncadd.s32 $0xFFFFC000;
	s26 =	smov.u32 s25;
	s25 =	sadd.s32 $0x400, s25  }
0x35: {  	_ = 	snop  }
0x36: {  	_ =	swait.ge [sflag:s18], $0x4000  }
0x37: {  	s26 =	sshra.s32 s26, $0x2;
	[sflag:s18] =	ssyncset.done $0x0  }
0x38: {  	s28 =	sadd.s32 $0x80, s26;
	[sflag:s18] =	ssyncadd.s32 $0xFFFFC000  }
0x39: {  	[tilespmem:s19], [sflag:$0x2] =	stream.indirect.gather [hbm4b:s4+s14], $0x80, s28, s14, $0xb8;
	[tilespmem:$0x1E400] =	vst v63  }
0x3a: {  	s28 =	sadd.s32 $0x1400, s26  }
0x3b: {  	[spmem:s2] =	stream.indirect.scatter.add.f32 [tilespmem:s15], [sflag:$0x3], $0x80, s28, s14, $0xb8;
	[tilespmem:$0x1E400] =	vst v63  }
0x3c: {  	_ =	swait.ge [sflag:s12], $0x4000  }
0x3d: {  	[sflag:s12] =	ssyncset.done $0x0  }
0x3e: {  	[sflag:s12] =	ssyncadd.s32 $0xFFFFC000  }
0x3f: {  	_ =	swait.ge [sflag:s20], $0x4000  }
0x40: {  	[sflag:s20] =	ssyncset.done $0x0  }
0x41: {  	s28 =	sadd.s32 $0x100, s26;
	[sflag:s20] =	ssyncadd.s32 $0xFFFFC000  }
0x42: {  	[tilespmem:s15], [sflag:$0x1] =	stream.indirect.gather [hbm4b:s4+s14], $0x80, s28, s14, $0xb8;
	[tilespmem:$0x1E400] =	vst v63  }
.Ltmp0:
0x43: {  	_ = 	snop;
	(pc) =	sbr.rel @p0 .LBB2_2-.Ltmp0, $4  }
0x44: {  	s26 =	sadd.s32 $0x1480, s26  }
0x45: {  	[spmem:s2] =	stream.indirect.scatter.add.f32 [tilespmem:s19], [sflag:$0x3], $0x80, s26, s14, $0xb8;
	[tilespmem:$0x1E400] =	vst v63  }
0x46: {  	_ =	swait.ge [sflag:s12], $0x4000  }
0x47: {  	[sflag:s12] =	ssyncset.done $0x0  }
0x48: {  	[sflag:s12] =	ssyncadd.s32 $0xFFFFC000  }
0x49: {  	_ =	swait.ge [sflag:s18], $0x4000  }
0x4a: {  	[sflag:s18] =	ssyncset.done $0x0  }
0x4b: {  	[sflag:s18] =	ssyncadd.s32 $0xFFFFC000  }
0x4c: {  	[tilespmem:s19], [sflag:$0x2] =	stream.indirect.gather [hbm4b:s4+s14], $0x80, s21, s14, $0xb8;
	[tilespmem:$0x1E400] =	vst v63  }
0x4d: {  	_ = 	snop  }
0x4e: {  	[spmem:s2] =	stream.indirect.scatter.add.f32 [tilespmem:s15], [sflag:$0x3], $0x80, s22, s14, $0xb8;
	[tilespmem:$0x1E400] =	vst v63  }
0x4f: {  	_ =	swait.ge [sflag:s12], $0x4000  }
0x50: {  	[sflag:s12] =	ssyncset.done $0x0  }
0x51: {  	[sflag:s12] =	ssyncadd.s32 $0xFFFFC000  }
0x52: {  	_ =	swait.ge [sflag:s20], $0x4000  }
0x53: {  	[sflag:s20] =	ssyncset.done $0x0  }
0x54: {  	[sflag:s20] =	ssyncadd.s32 $0xFFFFC000  }
0x55: {  	[spmem:s2] =	stream.indirect.scatter.add.f32 [tilespmem:s19], [sflag:$0x3], $0x80, s23, s14, $0xb8;
	[tilespmem:$0x1E400] =	vst v63  }
0x56: {  	_ =	swait.ge [sflag:s12], $0x4000  }
0x57: {  	[sflag:s12] =	ssyncset.done $0x0  }
0x58: {  	s25 =	simm.s32 $0x0;
	[sflag:s12] =	ssyncadd.s32 $0xFFFFC000  }
0x59: {  	[tilespmem:s25], [sflag:$0x3] =	stream.linear.gather [hbm4b:s8+s25], $0x1400, $0x38;
	[tilespmem:$0x1E400] =	vst v63  }
0x5a: {  	_ =	swait.ge [sflag:s12], $0x1400  }
0x5b: {  	[sflag:s12] =	ssyncset.done $0x0  }
0x5c: {  	[sflag:s12] =	ssyncadd.s32 $0xFFFFEC00  }
0x5d: {  	[tilespmem:s13], [sflag:$0x3] =	stream.linear.gather [hbm4b:s9+s25], $0x1400, $0x38;
	[tilespmem:$0x1E400] =	vst v63  }
0x5e: {  	_ =	swait.ge [sflag:s12], $0x1400  }
0x5f: {  	[sflag:s12] =	ssyncset.done $0x0  }
0x60: {  	[sflag:s12] =	ssyncadd.s32 $0xFFFFEC00  }
0x61: {  	[tilespmem:s15], [sflag:$0x1] =	stream.indirect.gather [hbm4b:s4+s14], $0x80, s25, s14, $0xb8;
	[tilespmem:$0x1E400] =	vst v63  }
0x62: {  	_ =	swait.ge [sflag:s18], $0x4000  }
0x63: {  	[sflag:s18] =	ssyncset.done $0x0  }
0x64: {  	s28 =	simm.s32 $0x80;
	[sflag:s18] =	ssyncadd.s32 $0xFFFFC000  }
0x65: {  	[tilespmem:s19], [sflag:$0x2] =	stream.indirect.gather [hbm4b:s4+s14], $0x80, s28, s14, $0xb8;
	[tilespmem:$0x1E400] =	vst v63  }
0x66: {  	s29 =	simm.s32 $0x1400  }
0x67: {  	[spmem:s2] =	stream.indirect.scatter.add.f32 [tilespmem:s15], [sflag:$0x3], $0x80, s29, s14, $0xb8;
	[tilespmem:$0x1E400] =	vst v63  }
0x68: {  	_ =	swait.ge [sflag:s12], $0x4000  }
0x69: {  	[sflag:s12] =	ssyncset.done $0x0  }
0x6a: {  	[sflag:s12] =	ssyncadd.s32 $0xFFFFC000  }
0x6b: {  	_ =	swait.ge [sflag:s20], $0x4000  }
0x6c: {  	[sflag:s20] =	ssyncset.done $0x0  }
0x6d: {  	s30 =	simm.s32 $0x100;
	[sflag:s20] =	ssyncadd.s32 $0xFFFFC000  }
0x6e: {  	[tilespmem:s15], [sflag:$0x1] =	stream.indirect.gather [hbm4b:s4+s14], $0x80, s30, s14, $0xb8;
	[tilespmem:$0x1E400] =	vst v63  }
0x6f: {  	s31 =	simm.s32 $0x1480  }
0x70: {  	[spmem:s2] =	stream.indirect.scatter.add.f32 [tilespmem:s19], [sflag:$0x3], $0x80, s31, s14, $0xb8;
	[tilespmem:$0x1E400] =	vst v63  }
0x71: {  	_ =	swait.ge [sflag:s12], $0x4000  }
0x72: {  	s25 =	simm.s32 $0x400;
	[sflag:s12] =	ssyncset.done $0x0  }
.LBB2_4:
0x73: {  	p0 =	sne.s32 s25, $0x4800  }
0x74: {  	[sflag:s12] =	ssyncadd.s32 $0xFFFFC000;
	s26 =	smov.u32 s25;
	s25 =	sadd.s32 $0x400, s25  }
0x75: {  	_ = 	snop  }
0x76: {  	_ =	swait.ge [sflag:s18], $0x4000  }
0x77: {  	s26 =	sshra.s32 s26, $0x2;
	[sflag:s18] =	ssyncset.done $0x0  }
0x78: {  	s28 =	sadd.s32 $0x80, s26;
	[sflag:s18] =	ssyncadd.s32 $0xFFFFC000  }
0x79: {  	[tilespmem:s19], [sflag:$0x2] =	stream.indirect.gather [hbm4b:s4+s14], $0x80, s28, s14, $0xb8;
	[tilespmem:$0x1E400] =	vst v63  }
0x7a: {  	s28 =	sadd.s32 $0x1400, s26  }
0x7b: {  	[spmem:s2] =	stream.indirect.scatter.add.f32 [tilespmem:s15], [sflag:$0x3], $0x80, s28, s14, $0xb8;
	[tilespmem:$0x1E400] =	vst v63  }
0x7c: {  	_ =	swait.ge [sflag:s12], $0x4000  }
0x7d: {  	[sflag:s12] =	ssyncset.done $0x0  }
0x7e: {  	[sflag:s12] =	ssyncadd.s32 $0xFFFFC000  }
0x7f: {  	_ =	swait.ge [sflag:s20], $0x4000  }
0x80: {  	[sflag:s20] =	ssyncset.done $0x0  }
0x81: {  	s28 =	sadd.s32 $0x100, s26;
	[sflag:s20] =	ssyncadd.s32 $0xFFFFC000  }
0x82: {  	[tilespmem:s15], [sflag:$0x1] =	stream.indirect.gather [hbm4b:s4+s14], $0x80, s28, s14, $0xb8;
	[tilespmem:$0x1E400] =	vst v63  }
.Ltmp1:
0x83: {  	_ = 	snop;
	(pc) =	sbr.rel @p0 .LBB2_4-.Ltmp1, $4  }
0x84: {  	s26 =	sadd.s32 $0x1480, s26  }
0x85: {  	[spmem:s2] =	stream.indirect.scatter.add.f32 [tilespmem:s19], [sflag:$0x3], $0x80, s26, s14, $0xb8;
	[tilespmem:$0x1E400] =	vst v63  }
0x86: {  	_ =	swait.ge [sflag:s12], $0x4000  }
0x87: {  	[sflag:s12] =	ssyncset.done $0x0  }
0x88: {  	[sflag:s12] =	ssyncadd.s32 $0xFFFFC000  }
0x89: {  	_ =	swait.ge [sflag:s18], $0x4000  }
0x8a: {  	[sflag:s18] =	ssyncset.done $0x0  }
0x8b: {  	[sflag:s18] =	ssyncadd.s32 $0xFFFFC000  }
0x8c: {  	[tilespmem:s19], [sflag:$0x2] =	stream.indirect.gather [hbm4b:s4+s14], $0x80, s21, s14, $0xb8;
	[tilespmem:$0x1E400] =	vst v63  }
0x8d: {  	_ = 	snop  }
0x8e: {  	[spmem:s2] =	stream.indirect.scatter.add.f32 [tilespmem:s15], [sflag:$0x3], $0x80, s22, s14, $0xb8;
	[tilespmem:$0x1E400] =	vst v63  }
0x8f: {  	_ =	swait.ge [sflag:s12], $0x4000  }
0x90: {  	[sflag:s12] =	ssyncset.done $0x0  }
0x91: {  	[sflag:s12] =	ssyncadd.s32 $0xFFFFC000  }
0x92: {  	_ =	swait.ge [sflag:s20], $0x4000  }
0x93: {  	[sflag:s20] =	ssyncset.done $0x0  }
0x94: {  	[sflag:s20] =	ssyncadd.s32 $0xFFFFC000  }
0x95: {  	[spmem:s2] =	stream.indirect.scatter.add.f32 [tilespmem:s19], [sflag:$0x3], $0x80, s23, s14, $0xb8;
	[tilespmem:$0x1E400] =	vst v63  }
0x96: {  	_ =	swait.ge [sflag:s12], $0x4000  }
0x97: {  	s24 =	sadd.s32 $0x1, s24;
	[sflag:s12] =	ssyncset.done $0x0  }
0x98: {  	p0 =	sne.s32 s24, s11;
	[sflag:s12] =	ssyncadd.s32 $0xFFFFC000  }
.Ltmp2:
0x99: {  	[bflag:$0x0] =	sbarrier.arrive $0xFFFF;
	(pc) =	sbr.rel @p0 .LBB2_1-.Ltmp2, $4  }
0x9a: {  	[hbm:s10], [sflag:s16] =	dma.local [spmem:s17], $0x2780  }
0x9b: {  	_ =	swait.ge [sflag:s12], $0x2780  }
0x9c: {  	[sflag:s12] =	ssyncset.done $0x0  }
0x9d: {  	[sflag:s12] =	ssyncadd.s32 $0xFFFFD880  }
0x9e: {  	_ =	sfence.sel $0x180000  }
0x9f: {  	[bflag:$0x0] =	sbarrier.arrive $0xFFFF  }
0xa0: {  	p0 =	sne.s32 s1, $0x0;
	_ =	strace $0x9000004A  }
0xa1: {  	s0 =	sadd.s32 @!p0 $0x100000, s0;
	[bflag:$0x2] =	sbarrier.arrive $0xFFFF  }
0xa2: {  	[sflag:s0] =	ssyncadd.tile.s32 @!p0 $0x1;
	_ =	shalt  }
.Lfunc_end2:
_tile_overlayer_lowered:
.L_overlay_start_2:
0xa3: {  	(tag) =	ssettag $0x2  }
0xa4: {  	s0 =	rddreg [dreg:$0x0];
	s2 =	stileid.u32  }
0xa5: {  	s1 =	rddreg [dreg:$0x1];
	p0 =	sne.s32 s2, $0x0  }
0xa6: {  	s3 =	rddreg [dreg:$0x2];
	[bflag:$0x3] =	sbarrier.arrive $0xFFFF;
	s2 =	simm.s32 @!p0 $0x1C03  }
0xa7: {  	[timem:s3], [sflag:s2] =	dma.local @!p0 [hbm:s0], s1  }
0xa8: {  	s0 =	simm.s32 @!p0 $0x3  }
0xa9: {  	_ =	swait.ge @!p0 [sflag:s0], s1  }
0xaa: {  	s1 =	ssub.s32 @!p0 $0x0, s1;
	[sflag:s0] =	ssyncset.done @!p0 $0x0  }
0xab: {  	[sflag:s0] =	ssyncadd.s32 @!p0 s1  }
0xac: {  	[bflag:$0x3] =	sbarrier.arrive $0xFFFF  }
0xad: {  	_ =	shalt  }

// kernel: kernel.15.cloned.1.call-start
scs
__scs_entry_jumppad:
0x0: {  	(pc) =	sbr.rel $0x88, $3  }
0x1: {  	(tag) =	ssettag $0x0;
	lr =	simm.s32 $0x1  }
0x2: {  	[smem:$0x3F96] =	sst lr;
	_ =	strace $0xD0000000  }
0x3: {  	_ = 	snop  }
0x4: {  	_ = 	snop  }
0x5: {  	_ = 	snop  }
0x6: {  	_ = 	snop  }
0x7: {  	_ = 	snop  }
__scs_overlays_trampoline_lowered:
0x8: {  	[smem:$0x3FA5] =	sst s0  }
0x9: {  	[smem:$0x3FA6] =	sst s1  }
0xa: {  	[smem:$0x3FA7] =	sst s2  }
0xb: {  	[smem:$0x3FA8] =	sst s3  }
0xc: {  	[smem:$0x3FA9] =	sst s4  }
0xd: {  	[smem:$0x3FAA] =	sst s5  }
0xe: {  	[smem:$0x3FAB] =	sst s6  }
0xf: {  	[smem:$0x3FAC] =	sst s7  }
0x10: {  	[smem:$0x3FAD] =	sst s8  }
0x11: {  	[smem:$0x3FAE] =	sst s9;
	s0 =	simm.s32 @!p0 $0x0  }
0x12: {  	s1 =	sld [smem:$0x3F94];
	s0 =	simm.s32 @p0 $0x1  }
0x13: {  	[smem:$0x3FAF] =	sst s0;
	s0 =	simm.s32 @!p1 $0x0  }
0x14: {  	s2 =	sld [smem:$0x3F93];
	s0 =	simm.s32 @p1 $0x1  }
0x15: {  	[smem:$0x3FB0] =	sst s0;
	s0 =	simm.s32 @!p2 $0x0  }
0x16: {  	s3 =	sld [smem:$0x3FDB];
	s0 =	simm.s32 @p2 $0x1  }
0x17: {  	s4 =	simm.s32 $0x1BF5;
	[smem:$0x3FB2] =	sst s0  }
0x18: {  	s0 =	sld [smem:$0x3F95];
	_ =	swait.ge [sflag:s4], $0x0  }
0x19: {  	s7 =	sld [smem:$0x3F96]  }
0x1a: {  	s8 =	sadd.s32 $0xFFFFE003, lr  }
0x1b: {  	s9 =	sadd.s32 $0xFFFFFEF7, lr;
	s5 =	simm.s32 $0xFFFFFFFF;
	p2 =	slt.u32 s8, $0xFFFFF086  }
0x1c: {  	p1 =	slt.u32 s9, $0xF7A;
	s5 =	simm.s32 @!p2 $0x0  }
0x1d: {  	s5 =	simm.s32 @p1 $0x1;
	p0 =	seq.s32 s7, s2  }
0x1e: {  	s7 =	smul.u32 @!p0 $0xF7A, s2;
	p2 =	seq.s32 @!p0 s5, $0x0  }
0x1f: {  	s9 =	smul.u32 $0xF7A, s1;
	s8 =	simm.s32 @!p0 $0x1BF5;
	p2 =	por !p2, p0  }
0x20: {  	[sflag:s8] =	ssyncset.s32 @!p0 $0xFFFFF086;
	s6 =	sadd.s32 @!p0 s3, s7;
	s7 =	simm.s32 @!p0 $0x108  }
0x21: {  	s3 =	sadd.s32 s3, s9;
	s6 =	sadd.s32 @!p0 $0x88, s6;
	s7 =	simm.s32 @p2 $0x1082  }
0x22: {  	[simem:s7], [sflag:s8] =	dma.local @!p0 [hbm:s6], $0xF7A  }
0x23: {  	s9 =	sor.u32 $0xD0000000, s2;
	s6 =	simm.s32 $0x108;
	_ =	swait.ge @!p0 [sflag:s8], $0x0  }
0x24: {  	s3 =	sadd.s32 $0x88, s3;
	s6 =	simm.s32 @!p1 $0x1082;
	[sflag:s4] =	ssyncset.s32 $0xFFFFF086  }
0x25: {  	[simem:s6], [sflag:s4] =	dma.local [hbm:s3], $0xF7A  }
0x26: {  	[smem:$0x3F96] =	sst s1;
	(tag) =	ssettag s2;
	_ =	strace s9  }
0x27: {  	s1 =	sld [smem:$0x3FA6]  }
0x28: {  	s2 =	sld [smem:$0x3FA7]  }
0x29: {  	s4 =	sld [smem:$0x3FA9]  }
0x2a: {  	p0 =	seq.s32 s5, $0x0;
	s5 =	sld [smem:$0x3FAA]  }
0x2b: {  	s6 =	sld [smem:$0x3FAB]  }
0x2c: {  	s7 =	sld [smem:$0x3FAC]  }
0x2d: {  	s3 =	simm.s32 $0x108;
	s8 =	sld [smem:$0x3FAD]  }
0x2e: {  	s3 =	simm.s32 @!p0 $0x1082;
	s9 =	sld [smem:$0x3FAE]  }
0x2f: {  	lr =	sadd.s32 s0, s3;
	s0 =	sld [smem:$0x3FA5]  }
0x30: {  	s3 =	sld [smem:$0x3FA8]  }
0x31: {  	[smem:$0x3FB1] =	sst s10  }
0x32: {  	s10 =	sld [smem:$0x3FAF];
	_ =	sdelay $0x3  }
0x33: {  	p0 =	seq.s32 s10, $0x1;
	s10 =	sld [smem:$0x3FB1];
	_ =	sdelay $0x3  }
0x34: {  	[smem:$0x3FB1] =	sst s10  }
0x35: {  	s10 =	sld [smem:$0x3FB0];
	_ =	sdelay $0x3  }
0x36: {  	p1 =	seq.s32 s10, $0x1;
	s10 =	sld [smem:$0x3FB1];
	_ =	sdelay $0x3  }
0x37: {  	[smem:$0x3FB1] =	sst s10  }
0x38: {  	s10 =	sld [smem:$0x3FB2]  }
0x39: {  	_ = 	snop;
	(pc) =	sbr.ind lr, $3  }
0x3a: {  	_ = 	snop  }
0x3b: {  	_ = 	snop  }
0x3c: {  	p2 =	seq.s32 s10, $0x1;
	s10 =	sld [smem:$0x3FB1]  }
0x3d: {  	_ =	shalt  }
0x3e: {  	_ =	shalt  }
0x3f: {  	_ =	shalt  }
0x40: {  	_ =	shalt  }
0x41: {  	_ =	shalt  }
0x42: {  	_ =	shalt  }
0x43: {  	_ =	shalt  }
0x44: {  	_ =	shalt  }
0x45: {  	_ =	shalt  }
0x46: {  	_ =	shalt  }
0x47: {  	_ =	shalt  }
0x48: {  	_ =	shalt  }
0x49: {  	_ =	shalt  }
0x4a: {  	_ =	shalt  }
0x4b: {  	_ =	shalt  }
0x4c: {  	_ =	shalt  }
0x4d: {  	_ =	shalt  }
0x4e: {  	_ =	shalt  }
0x4f: {  	_ =	shalt  }
0x50: {  	_ =	shalt  }
0x51: {  	_ =	shalt  }
0x52: {  	_ =	shalt  }
0x53: {  	_ =	shalt  }
0x54: {  	_ =	shalt  }
0x55: {  	_ =	shalt  }
0x56: {  	_ =	shalt  }
0x57: {  	_ =	shalt  }
0x58: {  	_ =	shalt  }
0x59: {  	_ =	shalt  }
0x5a: {  	_ =	shalt  }
0x5b: {  	_ =	shalt  }
0x5c: {  	_ =	shalt  }
0x5d: {  	_ =	shalt  }
0x5e: {  	_ =	shalt  }
0x5f: {  	_ =	shalt  }
0x60: {  	_ =	shalt  }
0x61: {  	_ =	shalt  }
0x62: {  	_ =	shalt  }
0x63: {  	_ =	shalt  }
0x64: {  	_ =	shalt  }
0x65: {  	_ =	shalt  }
0x66: {  	_ =	shalt  }
0x67: {  	_ =	shalt  }
0x68: {  	_ =	shalt  }
0x69: {  	_ =	shalt  }
0x6a: {  	_ =	shalt  }
0x6b: {  	_ =	shalt  }
0x6c: {  	_ =	shalt  }
0x6d: {  	_ =	shalt  }
0x6e: {  	_ =	shalt  }
0x6f: {  	_ =	shalt  }
0x70: {  	_ =	shalt  }
0x71: {  	_ =	shalt  }
0x72: {  	_ =	shalt  }
0x73: {  	_ =	shalt  }
0x74: {  	_ =	shalt  }
0x75: {  	_ =	shalt  }
0x76: {  	_ =	shalt  }
0x77: {  	_ =	shalt  }
0x78: {  	_ =	shalt  }
0x79: {  	_ =	shalt  }
0x7a: {  	_ =	shalt  }
0x7b: {  	_ =	shalt  }
0x7c: {  	_ =	shalt  }
0x7d: {  	_ =	shalt  }
0x7e: {  	_ =	shalt  }
0x7f: {  	_ =	shalt  }
0x80: {  	_ =	shalt  }
0x81: {  	_ =	shalt  }
0x82: {  	_ =	shalt  }
0x83: {  	_ =	shalt  }
0x84: {  	_ =	shalt  }
0x85: {  	_ =	shalt  }
0x86: {  	_ =	shalt  }
0x87: {  	_ =	shalt  }
.Lfunc_end0:
.L_simem_size_0:
called_computation.2_lowered:
.L_overlay_start_0:
0x88: {  	s2 =	sld [smem:$0x3FD9]  }
0x89: {  	s3 =	sld [smem:$0x3FFE];
	_ =	sdelay $0x1  }
0x8a: {  	s1 =	srdreg.scid  }
0x8b: {  	s0 =	sand.u32 $0x1, s1  }
0x8c: {  	s16 =	sshll.u32 s0, $0xA;
	s2 =	sadd.s32 s3, s2  }
0x8d: {  	s2 =	sadd.s32 s2, s16  }
0x8e: {  	[smem:$0x3FBD] =	sst s2  }
0x8f: {  	_ = 	snop  }
0x90: {  	(tm) =	ssettm $0x1  }
0x91: {  	s17 =	sld [smem:$0x3FFB];
	_ =	sdelay $0x3  }
0x92: {  	_ =	strace s17  }
0x93: {  	s2 =	sld [smem:$0x3FFC];
	_ =	sdelay $0x3  }
0x94: {  	_ =	strace s2  }
0x95: {  	s2 =	sld [smem:$0x3FFD];
	_ =	sdelay $0x3  }
0x96: {  	_ =	strace s2  }
0x97: {  	_ =	strace $0x8FFFFFFF  }
0x98: {  	s18 =	sld [smem:$0x3FDB];
	_ =	sdelay $0x1  }
0x99: {  	s19 =	simm.s32 $_scs_section_size  }
0x9a: {  	s4 =	simm.s32 $_size__tile_overlayer_lowered;
	s5 =	simm.s32 $_tile_overlayer_lowered  }
0x9b: {  	s22 =	simm.s32 $0x1BFF;
	s21 =	sshll.u32 s5, $0x1;
	s2 =	sadd.s32 s19, s18  }
0x9c: {  	s6 =	simm.s32 $0x0;
	s20 =	sshll.u32 s4, $0x1;
	s4 =	sadd.s32 s21, s2  }
0x9d: {  	[timem:s6], [sflag:s22] =	dma.local [hbm:s4], s20  }
0x9e: {  	_ =	swait.ge [sflag:s22], s20  }
0x9f: {  	s3 =	ssub.s32 $0x0, s20;
	[sflag:s22] =	ssyncset.done $0x0  }
0xa0: {  	[sflag:s22] =	ssyncadd.s32 s3;
	_ =	sdelay $0x1  }
0xa1: {  	s23 =	simm.s32 $0x1B8B  }
0xa2: {  	_ =	swait.ge [sflag:s23], $0x1  }
0xa3: {  	[sflag:s23] =	ssyncset.done $0x0  }
0xa4: {  	s25 =	simm.s32 $0x1B8E;
	s24 =	sld [smem:$0x3FFE];
	[sflag:s23] =	ssyncadd.s32 $0xFFFFFFFF  }
0xa5: {  	s26 =	simm.s32 $execute0_lowered;
	[smem:$0x3FD2] =	sst s25  }
0xa6: {  	s4 =	sshll.u32 s26, $0x1;
	_ =	strace $0x8000004C;
	[dreg:$0x1] =	wrdreg $0xFFFFFFFF  }
0xa7: {  	s28 =	simm.s32 $_size_execute0_lowered;
	s2 =	sadd.s32 s2, s4;
	[dreg:$0x0] =	wrdreg $0x0  }
0xa8: {  	s4 =	sshll.u32 s28, $0x1;
	[dreg:$0x2] =	wrdreg s2  }
0xa9: {  	[dreg:$0x3] =	wrdreg s4  }
0xaa: {  	[dreg:$0x4] =	wrdreg $0xC0  }
0xab: {  	_ =	task [dreg:s6], $0x5FFFF  }
0xac: {  	[dreg:$0x1] =	wrdreg $0xFFFFFFFF  }
0xad: {  	[dreg:$0x0] =	wrdreg $0x60  }
0xae: {  	[dreg:$0x2] =	wrdreg s24  }
0xaf: {  	[dreg:$0x3] =	wrdreg $0xA8000  }
0xb0: {  	[dreg:$0x4] =	wrdreg $0x9  }
0xb1: {  	_ =	task.clear_ibuf [dreg:s6], $0x5FFFF;
	_ =	strace $0x9000004C  }
0xb2: {  	s29 =	simm.s32 $0x9;
	_ =	strace $0x8000004E  }
0xb3: {  	_ =	swait.ge [sflag:s29], $0x1  }
0xb4: {  	[sflag:s29] =	ssyncadd.s32 $0xFFFFFFFF  }
0xb5: {  	_ =	strace $0x9000004E  }
0xb6: {  	_ =	sfence  }
0xb7: {  	s30 =	sld [smem:$0x0];
	_ =	sdelay $0x2  }
0xb8: {  	s31 =	sshll.u32 s1, $0xD;
	s1 =	sshrl.u32 s1, $0x2  }
0xb9: {  	s3 =	sand.u32 $0x4000, s31;
	s1 =	sadd.s32 s1, s30  }
0xba: {  	s0 =	sor.u32 s3, s0;
	s1 =	sshll.u32 s1, $0x11  }
0xbb: {  	s0 =	sor.u32 s1, s0  }
0xbc: {  	s0 =	sadd.s32 $0x8F2B, s0  }
0xbd: {  	[sflag:s0] =	ssyncadd.remote.s32 $0x1  }
0xbe: {  	_ =	sfence.sel $0xFFFF  }
0xbf: {  	[dreg:$0x0] =	wrdreg $0xFFFFFFFF;
	(pc) =	sbr.abs _section_cstart, $3  }
0xc0: {  	[dreg:$0x1] =	wrdreg $0xFFFFFFFF  }
0xc1: {  	_ =	task.clear_ibuf [dreg:s6], $0x2FFFF;
	_ =	strace $0x9FFFFFFF  }
0xc2: {  	(tm) =	ssettm $0x7FFFFFFF  }
0xc3: {  	_ =	shalt  }
tec
execute0_lowered:
.L_overlay_start_1:
0x0: {  	(tag) =	ssettag $0x1  }
0x1: {  	s5 =	rddreg [dreg:$0x0]  }
0x2: {  	s2 =	rddreg [dreg:$0x1]  }
0x3: {  	s0 =	rddreg [dreg:$0x2]  }
0x4: {  	s3 =	simm.s32 $0x0;
	s1 =	stileid.u32;
	s4 =	srdreg.scid  }
0x5: {  	s15 =	simm.s32 $0x2800;
	s18 =	simm.s32 $0x1;
	s19 =	simm.s32 $0x6800  }
0x6: {  	s20 =	simm.s32 $0x2;
	s21 =	simm.s32 $0x1380;
	s22 =	simm.s32 $0x2700  }
0x7: {  	s23 =	simm.s32 $0x2780;
	s24 =	simm.s32 $0x0;
	[smem:$0x7FF] =	sst s3  }
0x8: {  	s6 =	smul.u32 $0x13C00, s1;
	s8 =	sadd.s32 $0x17200, s5;
	s9 =	sadd.s32 $0x3400, s5  }
0x9: {  	s7 =	sand.u32 $0x1, s4;
	s4 =	sadd.s32 $0x21200, s5;
	s13 =	smul.u32 $0x4F000, s1  }
0xa: {  	s16 =	sshll.u32 s1, $0x6;
	_ =	strace $0x8000004D;
	s11 =	smul.u32 $0x13C000, s7  }
0xb: {  	s12 =	sshll.u32 s7, $0x4;
	s7 =	ssub.s32 $0x2, s7;
	s16 =	sor.u32 $0x1C03, s16  }
0xc: {  	s10 =	sshrl.u32 s6, $0x3;
	s12 =	sor.u32 s1, s12;
	s29 =	sshrl.u32 s7, $0x1  }
0xd: {  	s30 =	sshrl.u32 s13, $0x2;
	s13 =	simm.s32 $0x1400;
	s10 =	sadd.s32 s10, s5  }
0xe: {  	s6 =	sadd.s32 s6, s11;
	s28 =	smul.u32 $0x2800, s12;
	s12 =	ssub.s32 s7, s29  }
0xf: {  	s17 =	sadd.s32 s30, s2;
	s6 =	sshrl.u32 s6, $0x3;
	s7 =	sadd.s32 $0x48400, s10  }
0x10: {  	s17 =	sshrl.u32 s17, $0x3;
	s14 =	sadd.s32 s6, s5;
	s11 =	sshrl.u32 s28, $0x3  }
0x11: {  	s5 =	sadd.s32 s8, s11;
	s6 =	sadd.s32 s9, s11;
	s31 =	sadd.s32 $0x280, s11  }
0x12: {  	s10 =	sadd.s32 $0x6FC00, s14;
	s11 =	smax.u32 s12, $0x1;
	s12 =	simm.s32 $0x3  }
0x13: {  	s14 =	simm.s32 $0x80;
	s8 =	sadd.s32 s8, s31;
	s9 =	sadd.s32 s9, s31  }
.LBB2_1:
0x14: {  	[tilespmem:s3], [sflag:$0x3] =	stream.linear.gather [hbm4b:s5+s3], $0x1400, $0x38;
	[tilespmem:$0x1E400] =	vst v63  }
0x15: {  	_ =	swait.ge [sflag:s12], $0x1400  }
0x16: {  	[sflag:s12] =	ssyncset.done $0x0  }
0x17: {  	[sflag:s12] =	ssyncadd.s32 $0xFFFFEC00  }
0x18: {  	[tilespmem:s13], [sflag:$0x3] =	stream.linear.gather [hbm4b:s6+s3], $0x1400, $0x38;
	[tilespmem:$0x1E400] =	vst v63  }
0x19: {  	_ =	swait.ge [sflag:s12], $0x1400  }
0x1a: {  	[sflag:s12] =	ssyncset.done $0x0  }
0x1b: {  	[sflag:s12] =	ssyncadd.s32 $0xFFFFEC00  }
0x1c: {  	[tilespmem:s15], [sflag:$0x1] =	stream.indirect.gather [hbm4b:s4+s14], $0x80, s3, s14, $0xb8;
	[tilespmem:$0x1E400] =	vst v63  }
0x1d: {  	[spmem:s17], [sflag:s16] =	dma.local [hbm:s7], $0x2780  }
0x1e: {  	_ =	swait.ge [sflag:s12], $0x2780  }
0x1f: {  	[sflag:s12] =	ssyncset.done $0x0  }
0x20: {  	[sflag:s12] =	ssyncadd.s32 $0xFFFFD880  }
0x21: {  	[bflag:$0x0] =	sbarrier.arrive $0xFFFF  }
0x22: {  	_ =	swait.ge [sflag:s18], $0x4000  }
0x23: {  	[sflag:s18] =	ssyncset.done $0x0  }
0x24: {  	s25 =	simm.s32 $0x80;
	[sflag:s18] =	ssyncadd.s32 $0xFFFFC000  }
0x25: {  	[tilespmem:s19], [sflag:$0x2] =	stream.indirect.gather [hbm4b:s4+s14], $0x80, s25, s14, $0xb8;
	[tilespmem:$0x1E400] =	vst v63  }
0x26: {  	s29 =	simm.s32 $0x1400  }
0x27: {  	[spmem:s2] =	stream.indirect.scatter.add.f32 [tilespmem:s15], [sflag:$0x3], $0x80, s29, s14, $0xb8;
	[tilespmem:$0x1E400] =	vst v63  }
0x28: {  	_ =	swait.ge [sflag:s12], $0x4000  }
0x29: {  	[sflag:s12] =	ssyncset.done $0x0  }
0x2a: {  	[sflag:s12] =	ssyncadd.s32 $0xFFFFC000  }
0x2b: {  	_ =	swait.ge [sflag:s20], $0x4000  }
0x2c: {  	[sflag:s20] =	ssyncset.done $0x0  }
0x2d: {  	s30 =	simm.s32 $0x100;
	[sflag:s20] =	ssyncadd.s32 $0xFFFFC000  }
0x2e: {  	[tilespmem:s15], [sflag:$0x1] =	stream.indirect.gather [hbm4b:s4+s14], $0x80, s30, s14, $0xb8;
	[tilespmem:$0x1E400] =	vst v63  }
0x2f: {  	s31 =	simm.s32 $0x1480  }
0x30: {  	[spmem:s2] =	stream.indirect.scatter.add.f32 [tilespmem:s19], [sflag:$0x3], $0x80, s31, s14, $0xb8;
	[tilespmem:$0x1E400] =	vst v63  }
0x31: {  	_ =	swait.ge [sflag:s12], $0x4000  }
0x32: {  	s25 =	simm.s32 $0x400;
	[sflag:s12] =	ssyncset.done $0x0  }
.LBB2_2:
0x33: {  	p0 =	sne.s32 s25, $0x4800  }
0x34: {  	[sflag:s12] =	ssyncadd.s32 $0xFFFFC000;
	s26 =	smov.u32 s25;
	s25 =	sadd.s32 $0x400, s25  }
0x35: {  	_ = 	snop  }
0x36: {  	_ =	swait.ge [sflag:s18], $0x4000  }
0x37: {  	s26 =	sshra.s32 s26, $0x2;
	[sflag:s18] =	ssyncset.done $0x0  }
0x38: {  	s28 =	sadd.s32 $0x80, s26;
	[sflag:s18] =	ssyncadd.s32 $0xFFFFC000  }
0x39: {  	[tilespmem:s19], [sflag:$0x2] =	stream.indirect.gather [hbm4b:s4+s14], $0x80, s28, s14, $0xb8;
	[tilespmem:$0x1E400] =	vst v63  }
0x3a: {  	s28 =	sadd.s32 $0x1400, s26  }
0x3b: {  	[spmem:s2] =	stream.indirect.scatter.add.f32 [tilespmem:s15], [sflag:$0x3], $0x80, s28, s14, $0xb8;
	[tilespmem:$0x1E400] =	vst v63  }
0x3c: {  	_ =	swait.ge [sflag:s12], $0x4000  }
0x3d: {  	[sflag:s12] =	ssyncset.done $0x0  }
0x3e: {  	[sflag:s12] =	ssyncadd.s32 $0xFFFFC000  }
0x3f: {  	_ =	swait.ge [sflag:s20], $0x4000  }
0x40: {  	[sflag:s20] =	ssyncset.done $0x0  }
0x41: {  	s28 =	sadd.s32 $0x100, s26;
	[sflag:s20] =	ssyncadd.s32 $0xFFFFC000  }
0x42: {  	[tilespmem:s15], [sflag:$0x1] =	stream.indirect.gather [hbm4b:s4+s14], $0x80, s28, s14, $0xb8;
	[tilespmem:$0x1E400] =	vst v63  }
.Ltmp0:
0x43: {  	_ = 	snop;
	(pc) =	sbr.rel @p0 .LBB2_2-.Ltmp0, $4  }
0x44: {  	s26 =	sadd.s32 $0x1480, s26  }
0x45: {  	[spmem:s2] =	stream.indirect.scatter.add.f32 [tilespmem:s19], [sflag:$0x3], $0x80, s26, s14, $0xb8;
	[tilespmem:$0x1E400] =	vst v63  }
0x46: {  	_ =	swait.ge [sflag:s12], $0x4000  }
0x47: {  	[sflag:s12] =	ssyncset.done $0x0  }
0x48: {  	[sflag:s12] =	ssyncadd.s32 $0xFFFFC000  }
0x49: {  	_ =	swait.ge [sflag:s18], $0x4000  }
0x4a: {  	[sflag:s18] =	ssyncset.done $0x0  }
0x4b: {  	[sflag:s18] =	ssyncadd.s32 $0xFFFFC000  }
0x4c: {  	[tilespmem:s19], [sflag:$0x2] =	stream.indirect.gather [hbm4b:s4+s14], $0x80, s21, s14, $0xb8;
	[tilespmem:$0x1E400] =	vst v63  }
0x4d: {  	_ = 	snop  }
0x4e: {  	[spmem:s2] =	stream.indirect.scatter.add.f32 [tilespmem:s15], [sflag:$0x3], $0x80, s22, s14, $0xb8;
	[tilespmem:$0x1E400] =	vst v63  }
0x4f: {  	_ =	swait.ge [sflag:s12], $0x4000  }
0x50: {  	[sflag:s12] =	ssyncset.done $0x0  }
0x51: {  	[sflag:s12] =	ssyncadd.s32 $0xFFFFC000  }
0x52: {  	_ =	swait.ge [sflag:s20], $0x4000  }
0x53: {  	[sflag:s20] =	ssyncset.done $0x0  }
0x54: {  	[sflag:s20] =	ssyncadd.s32 $0xFFFFC000  }
0x55: {  	[spmem:s2] =	stream.indirect.scatter.add.f32 [tilespmem:s19], [sflag:$0x3], $0x80, s23, s14, $0xb8;
	[tilespmem:$0x1E400] =	vst v63  }
0x56: {  	_ =	swait.ge [sflag:s12], $0x4000  }
0x57: {  	[sflag:s12] =	ssyncset.done $0x0  }
0x58: {  	s25 =	simm.s32 $0x0;
	[sflag:s12] =	ssyncadd.s32 $0xFFFFC000  }
0x59: {  	[tilespmem:s25], [sflag:$0x3] =	stream.linear.gather [hbm4b:s8+s25], $0x1400, $0x38;
	[tilespmem:$0x1E400] =	vst v63  }
0x5a: {  	_ =	swait.ge [sflag:s12], $0x1400  }
0x5b: {  	[sflag:s12] =	ssyncset.done $0x0  }
0x5c: {  	[sflag:s12] =	ssyncadd.s32 $0xFFFFEC00  }
0x5d: {  	[tilespmem:s13], [sflag:$0x3] =	stream.linear.gather [hbm4b:s9+s25], $0x1400, $0x38;
	[tilespmem:$0x1E400] =	vst v63  }
0x5e: {  	_ =	swait.ge [sflag:s12], $0x1400  }
0x5f: {  	[sflag:s12] =	ssyncset.done $0x0  }
0x60: {  	[sflag:s12] =	ssyncadd.s32 $0xFFFFEC00  }
0x61: {  	[tilespmem:s15], [sflag:$0x1] =	stream.indirect.gather [hbm4b:s4+s14], $0x80, s25, s14, $0xb8;
	[tilespmem:$0x1E400] =	vst v63  }
0x62: {  	_ =	swait.ge [sflag:s18], $0x4000  }
0x63: {  	[sflag:s18] =	ssyncset.done $0x0  }
0x64: {  	s28 =	simm.s32 $0x80;
	[sflag:s18] =	ssyncadd.s32 $0xFFFFC000  }
0x65: {  	[tilespmem:s19], [sflag:$0x2] =	stream.indirect.gather [hbm4b:s4+s14], $0x80, s28, s14, $0xb8;
	[tilespmem:$0x1E400] =	vst v63  }
0x66: {  	s29 =	simm.s32 $0x1400  }
0x67: {  	[spmem:s2] =	stream.indirect.scatter.add.f32 [tilespmem:s15], [sflag:$0x3], $0x80, s29, s14, $0xb8;
	[tilespmem:$0x1E400] =	vst v63  }
0x68: {  	_ =	swait.ge [sflag:s12], $0x4000  }
0x69: {  	[sflag:s12] =	ssyncset.done $0x0  }
0x6a: {  	[sflag:s12] =	ssyncadd.s32 $0xFFFFC000  }
0x6b: {  	_ =	swait.ge [sflag:s20], $0x4000  }
0x6c: {  	[sflag:s20] =	ssyncset.done $0x0  }
0x6d: {  	s30 =	simm.s32 $0x100;
	[sflag:s20] =	ssyncadd.s32 $0xFFFFC000  }
0x6e: {  	[tilespmem:s15], [sflag:$0x1] =	stream.indirect.gather [hbm4b:s4+s14], $0x80, s30, s14, $0xb8;
	[tilespmem:$0x1E400] =	vst v63  }
0x6f: {  	s31 =	simm.s32 $0x1480  }
0x70: {  	[spmem:s2] =	stream.indirect.scatter.add.f32 [tilespmem:s19], [sflag:$0x3], $0x80, s31, s14, $0xb8;
	[tilespmem:$0x1E400] =	vst v63  }
0x71: {  	_ =	swait.ge [sflag:s12], $0x4000  }
0x72: {  	s25 =	simm.s32 $0x400;
	[sflag:s12] =	ssyncset.done $0x0  }
.LBB2_4:
0x73: {  	p0 =	sne.s32 s25, $0x4800  }
0x74: {  	[sflag:s12] =	ssyncadd.s32 $0xFFFFC000;
	s26 =	smov.u32 s25;
	s25 =	sadd.s32 $0x400, s25  }
0x75: {  	_ = 	snop  }
0x76: {  	_ =	swait.ge [sflag:s18], $0x4000  }
0x77: {  	s26 =	sshra.s32 s26, $0x2;
	[sflag:s18] =	ssyncset.done $0x0  }
0x78: {  	s28 =	sadd.s32 $0x80, s26;
	[sflag:s18] =	ssyncadd.s32 $0xFFFFC000  }
0x79: {  	[tilespmem:s19], [sflag:$0x2] =	stream.indirect.gather [hbm4b:s4+s14], $0x80, s28, s14, $0xb8;
	[tilespmem:$0x1E400] =	vst v63  }
0x7a: {  	s28 =	sadd.s32 $0x1400, s26  }
0x7b: {  	[spmem:s2] =	stream.indirect.scatter.add.f32 [tilespmem:s15], [sflag:$0x3], $0x80, s28, s14, $0xb8;
	[tilespmem:$0x1E400] =	vst v63  }
0x7c: {  	_ =	swait.ge [sflag:s12], $0x4000  }
0x7d: {  	[sflag:s12] =	ssyncset.done $0x0  }
0x7e: {  	[sflag:s12] =	ssyncadd.s32 $0xFFFFC000  }
0x7f: {  	_ =	swait.ge [sflag:s20], $0x4000  }
0x80: {  	[sflag:s20] =	ssyncset.done $0x0  }
0x81: {  	s28 =	sadd.s32 $0x100, s26;
	[sflag:s20] =	ssyncadd.s32 $0xFFFFC000  }
0x82: {  	[tilespmem:s15], [sflag:$0x1] =	stream.indirect.gather [hbm4b:s4+s14], $0x80, s28, s14, $0xb8;
	[tilespmem:$0x1E400] =	vst v63  }
.Ltmp1:
0x83: {  	_ = 	snop;
	(pc) =	sbr.rel @p0 .LBB2_4-.Ltmp1, $4  }
0x84: {  	s26 =	sadd.s32 $0x1480, s26  }
0x85: {  	[spmem:s2] =	stream.indirect.scatter.add.f32 [tilespmem:s19], [sflag:$0x3], $0x80, s26, s14, $0xb8;
	[tilespmem:$0x1E400] =	vst v63  }
0x86: {  	_ =	swait.ge [sflag:s12], $0x4000  }
0x87: {  	[sflag:s12] =	ssyncset.done $0x0  }
0x88: {  	[sflag:s12] =	ssyncadd.s32 $0xFFFFC000  }
0x89: {  	_ =	swait.ge [sflag:s18], $0x4000  }
0x8a: {  	[sflag:s18] =	ssyncset.done $0x0  }
0x8b: {  	[sflag:s18] =	ssyncadd.s32 $0xFFFFC000  }
0x8c: {  	[tilespmem:s19], [sflag:$0x2] =	stream.indirect.gather [hbm4b:s4+s14], $0x80, s21, s14, $0xb8;
	[tilespmem:$0x1E400] =	vst v63  }
0x8d: {  	_ = 	snop  }
0x8e: {  	[spmem:s2] =	stream.indirect.scatter.add.f32 [tilespmem:s15], [sflag:$0x3], $0x80, s22, s14, $0xb8;
	[tilespmem:$0x1E400] =	vst v63  }
0x8f: {  	_ =	swait.ge [sflag:s12], $0x4000  }
0x90: {  	[sflag:s12] =	ssyncset.done $0x0  }
0x91: {  	[sflag:s12] =	ssyncadd.s32 $0xFFFFC000  }
0x92: {  	_ =	swait.ge [sflag:s20], $0x4000  }
0x93: {  	[sflag:s20] =	ssyncset.done $0x0  }
0x94: {  	[sflag:s20] =	ssyncadd.s32 $0xFFFFC000  }
0x95: {  	[spmem:s2] =	stream.indirect.scatter.add.f32 [tilespmem:s19], [sflag:$0x3], $0x80, s23, s14, $0xb8;
	[tilespmem:$0x1E400] =	vst v63  }
0x96: {  	_ =	swait.ge [sflag:s12], $0x4000  }
0x97: {  	s24 =	sadd.s32 $0x1, s24;
	[sflag:s12] =	ssyncset.done $0x0  }
0x98: {  	p0 =	sne.s32 s24, s11;
	[sflag:s12] =	ssyncadd.s32 $0xFFFFC000  }
.Ltmp2:
0x99: {  	[bflag:$0x0] =	sbarrier.arrive $0xFFFF;
	(pc) =	sbr.rel @p0 .LBB2_1-.Ltmp2, $4  }
0x9a: {  	[hbm:s10], [sflag:s16] =	dma.local [spmem:s17], $0x2780  }
0x9b: {  	_ =	swait.ge [sflag:s12], $0x2780  }
0x9c: {  	[sflag:s12] =	ssyncset.done $0x0  }
0x9d: {  	[sflag:s12] =	ssyncadd.s32 $0xFFFFD880  }
0x9e: {  	_ =	sfence.sel $0x180000  }
0x9f: {  	[bflag:$0x0] =	sbarrier.arrive $0xFFFF  }
0xa0: {  	p0 =	sne.s32 s1, $0x0;
	_ =	strace $0x9000004D  }
0xa1: {  	s0 =	sadd.s32 @!p0 $0x100000, s0;
	[bflag:$0x2] =	sbarrier.arrive $0xFFFF  }
0xa2: {  	[sflag:s0] =	ssyncadd.tile.s32 @!p0 $0x1;
	_ =	shalt  }
.Lfunc_end2:
_tile_overlayer_lowered:
.L_overlay_start_2:
0xa3: {  	(tag) =	ssettag $0x2  }
0xa4: {  	s0 =	rddreg [dreg:$0x0];
	s2 =	stileid.u32  }
0xa5: {  	s1 =	rddreg [dreg:$0x1];
	p0 =	sne.s32 s2, $0x0  }
0xa6: {  	s3 =	rddreg [dreg:$0x2];
	[bflag:$0x3] =	sbarrier.arrive $0xFFFF;
	s2 =	simm.s32 @!p0 $0x1C03  }
0xa7: {  	[timem:s3], [sflag:s2] =	dma.local @!p0 [hbm:s0], s1  }
0xa8: {  	s0 =	simm.s32 @!p0 $0x3  }
0xa9: {  	_ =	swait.ge @!p0 [sflag:s0], s1  }
0xaa: {  	s1 =	ssub.s32 @!p0 $0x0, s1;
	[sflag:s0] =	ssyncset.done @!p0 $0x0  }
0xab: {  	[sflag:s0] =	ssyncadd.s32 @!p0 s1  }
0xac: {  	[bflag:$0x3] =	sbarrier.arrive $0xFFFF  }
0xad: {  	_ =	shalt  }

// kernel: kernel.9.cloned.1.call-start
scs
__scs_entry_jumppad:
0x0: {  	(pc) =	sbr.rel $0x88, $3  }
0x1: {  	(tag) =	ssettag $0x0;
	lr =	simm.s32 $0x1  }
0x2: {  	[smem:$0x3F96] =	sst lr;
	_ =	strace $0xD0000000  }
0x3: {  	_ = 	snop  }
0x4: {  	_ = 	snop  }
0x5: {  	_ = 	snop  }
0x6: {  	_ = 	snop  }
0x7: {  	_ = 	snop  }
__scs_overlays_trampoline_lowered:
0x8: {  	[smem:$0x3FA5] =	sst s0  }
0x9: {  	[smem:$0x3FA6] =	sst s1  }
0xa: {  	[smem:$0x3FA7] =	sst s2  }
0xb: {  	[smem:$0x3FA8] =	sst s3  }
0xc: {  	[smem:$0x3FA9] =	sst s4  }
0xd: {  	[smem:$0x3FAA] =	sst s5  }
0xe: {  	[smem:$0x3FAB] =	sst s6  }
0xf: {  	[smem:$0x3FAC] =	sst s7  }
0x10: {  	[smem:$0x3FAD] =	sst s8  }
0x11: {  	[smem:$0x3FAE] =	sst s9;
	s0 =	simm.s32 @!p0 $0x0  }
0x12: {  	s1 =	sld [smem:$0x3F94];
	s0 =	simm.s32 @p0 $0x1  }
0x13: {  	[smem:$0x3FAF] =	sst s0;
	s0 =	simm.s32 @!p1 $0x0  }
0x14: {  	s2 =	sld [smem:$0x3F93];
	s0 =	simm.s32 @p1 $0x1  }
0x15: {  	[smem:$0x3FB0] =	sst s0;
	s0 =	simm.s32 @!p2 $0x0  }
0x16: {  	s3 =	sld [smem:$0x3FDB];
	s0 =	simm.s32 @p2 $0x1  }
0x17: {  	s4 =	simm.s32 $0x1BF5;
	[smem:$0x3FB2] =	sst s0  }
0x18: {  	s0 =	sld [smem:$0x3F95];
	_ =	swait.ge [sflag:s4], $0x0  }
0x19: {  	s7 =	sld [smem:$0x3F96]  }
0x1a: {  	s8 =	sadd.s32 $0xFFFFE003, lr  }
0x1b: {  	s9 =	sadd.s32 $0xFFFFFEF7, lr;
	s5 =	simm.s32 $0xFFFFFFFF;
	p2 =	slt.u32 s8, $0xFFFFF086  }
0x1c: {  	p1 =	slt.u32 s9, $0xF7A;
	s5 =	simm.s32 @!p2 $0x0  }
0x1d: {  	s5 =	simm.s32 @p1 $0x1;
	p0 =	seq.s32 s7, s2  }
0x1e: {  	s7 =	smul.u32 @!p0 $0xF7A, s2;
	p2 =	seq.s32 @!p0 s5, $0x0  }
0x1f: {  	s9 =	smul.u32 $0xF7A, s1;
	s8 =	simm.s32 @!p0 $0x1BF5;
	p2 =	por !p2, p0  }
0x20: {  	[sflag:s8] =	ssyncset.s32 @!p0 $0xFFFFF086;
	s6 =	sadd.s32 @!p0 s3, s7;
	s7 =	simm.s32 @!p0 $0x108  }
0x21: {  	s3 =	sadd.s32 s3, s9;
	s6 =	sadd.s32 @!p0 $0x88, s6;
	s7 =	simm.s32 @p2 $0x1082  }
0x22: {  	[simem:s7], [sflag:s8] =	dma.local @!p0 [hbm:s6], $0xF7A  }
0x23: {  	s9 =	sor.u32 $0xD0000000, s2;
	s6 =	simm.s32 $0x108;
	_ =	swait.ge @!p0 [sflag:s8], $0x0  }
0x24: {  	s3 =	sadd.s32 $0x88, s3;
	s6 =	simm.s32 @!p1 $0x1082;
	[sflag:s4] =	ssyncset.s32 $0xFFFFF086  }
0x25: {  	[simem:s6], [sflag:s4] =	dma.local [hbm:s3], $0xF7A  }
0x26: {  	[smem:$0x3F96] =	sst s1;
	(tag) =	ssettag s2;
	_ =	strace s9  }
0x27: {  	s1 =	sld [smem:$0x3FA6]  }
0x28: {  	s2 =	sld [smem:$0x3FA7]  }
0x29: {  	s4 =	sld [smem:$0x3FA9]  }
0x2a: {  	p0 =	seq.s32 s5, $0x0;
	s5 =	sld [smem:$0x3FAA]  }
0x2b: {  	s6 =	sld [smem:$0x3FAB]  }
0x2c: {  	s7 =	sld [smem:$0x3FAC]  }
0x2d: {  	s3 =	simm.s32 $0x108;
	s8 =	sld [smem:$0x3FAD]  }
0x2e: {  	s3 =	simm.s32 @!p0 $0x1082;
	s9 =	sld [smem:$0x3FAE]  }
0x2f: {  	lr =	sadd.s32 s0, s3;
	s0 =	sld [smem:$0x3FA5]  }
0x30: {  	s3 =	sld [smem:$0x3FA8]  }
0x31: {  	[smem:$0x3FB1] =	sst s10  }
0x32: {  	s10 =	sld [smem:$0x3FAF];
	_ =	sdelay $0x3  }
0x33: {  	p0 =	seq.s32 s10, $0x1;
	s10 =	sld [smem:$0x3FB1];
	_ =	sdelay $0x3  }
0x34: {  	[smem:$0x3FB1] =	sst s10  }
0x35: {  	s10 =	sld [smem:$0x3FB0];
	_ =	sdelay $0x3  }
0x36: {  	p1 =	seq.s32 s10, $0x1;
	s10 =	sld [smem:$0x3FB1];
	_ =	sdelay $0x3  }
0x37: {  	[smem:$0x3FB1] =	sst s10  }
0x38: {  	s10 =	sld [smem:$0x3FB2]  }
0x39: {  	_ = 	snop;
	(pc) =	sbr.ind lr, $3  }
0x3a: {  	_ = 	snop  }
0x3b: {  	_ = 	snop  }
0x3c: {  	p2 =	seq.s32 s10, $0x1;
	s10 =	sld [smem:$0x3FB1]  }
0x3d: {  	_ =	shalt  }
0x3e: {  	_ =	shalt  }
0x3f: {  	_ =	shalt  }
0x40: {  	_ =	shalt  }
0x41: {  	_ =	shalt  }
0x42: {  	_ =	shalt  }
0x43: {  	_ =	shalt  }
0x44: {  	_ =	shalt  }
0x45: {  	_ =	shalt  }
0x46: {  	_ =	shalt  }
0x47: {  	_ =	shalt  }
0x48: {  	_ =	shalt  }
0x49: {  	_ =	shalt  }
0x4a: {  	_ =	shalt  }
0x4b: {  	_ =	shalt  }
0x4c: {  	_ =	shalt  }
0x4d: {  	_ =	shalt  }
0x4e: {  	_ =	shalt  }
0x4f: {  	_ =	shalt  }
0x50: {  	_ =	shalt  }
0x51: {  	_ =	shalt  }
0x52: {  	_ =	shalt  }
0x53: {  	_ =	shalt  }
0x54: {  	_ =	shalt  }
0x55: {  	_ =	shalt  }
0x56: {  	_ =	shalt  }
0x57: {  	_ =	shalt  }
0x58: {  	_ =	shalt  }
0x59: {  	_ =	shalt  }
0x5a: {  	_ =	shalt  }
0x5b: {  	_ =	shalt  }
0x5c: {  	_ =	shalt  }
0x5d: {  	_ =	shalt  }
0x5e: {  	_ =	shalt  }
0x5f: {  	_ =	shalt  }
0x60: {  	_ =	shalt  }
0x61: {  	_ =	shalt  }
0x62: {  	_ =	shalt  }
0x63: {  	_ =	shalt  }
0x64: {  	_ =	shalt  }
0x65: {  	_ =	shalt  }
0x66: {  	_ =	shalt  }
0x67: {  	_ =	shalt  }
0x68: {  	_ =	shalt  }
0x69: {  	_ =	shalt  }
0x6a: {  	_ =	shalt  }
0x6b: {  	_ =	shalt  }
0x6c: {  	_ =	shalt  }
0x6d: {  	_ =	shalt  }
0x6e: {  	_ =	shalt  }
0x6f: {  	_ =	shalt  }
0x70: {  	_ =	shalt  }
0x71: {  	_ =	shalt  }
0x72: {  	_ =	shalt  }
0x73: {  	_ =	shalt  }
0x74: {  	_ =	shalt  }
0x75: {  	_ =	shalt  }
0x76: {  	_ =	shalt  }
0x77: {  	_ =	shalt  }
0x78: {  	_ =	shalt  }
0x79: {  	_ =	shalt  }
0x7a: {  	_ =	shalt  }
0x7b: {  	_ =	shalt  }
0x7c: {  	_ =	shalt  }
0x7d: {  	_ =	shalt  }
0x7e: {  	_ =	shalt  }
0x7f: {  	_ =	shalt  }
0x80: {  	_ =	shalt  }
0x81: {  	_ =	shalt  }
0x82: {  	_ =	shalt  }
0x83: {  	_ =	shalt  }
0x84: {  	_ =	shalt  }
0x85: {  	_ =	shalt  }
0x86: {  	_ =	shalt  }
0x87: {  	_ =	shalt  }
.Lfunc_end0:
.L_simem_size_0:
called_computation_lowered:
.L_overlay_start_0:
0x88: {  	s2 =	sld [smem:$0x3FD9]  }
0x89: {  	s3 =	sld [smem:$0x3FFE];
	_ =	sdelay $0x1  }
0x8a: {  	s1 =	srdreg.scid  }
0x8b: {  	s0 =	sand.u32 $0x1, s1  }
0x8c: {  	s16 =	sshll.u32 s0, $0xA;
	s2 =	sadd.s32 s3, s2  }
0x8d: {  	s2 =	sadd.s32 s2, s16  }
0x8e: {  	[smem:$0x3FBD] =	sst s2  }
0x8f: {  	_ = 	snop  }
0x90: {  	(tm) =	ssettm $0x1  }
0x91: {  	s17 =	sld [smem:$0x3FFB];
	_ =	sdelay $0x3  }
0x92: {  	_ =	strace s17  }
0x93: {  	s2 =	sld [smem:$0x3FFC];
	_ =	sdelay $0x3  }
0x94: {  	_ =	strace s2  }
0x95: {  	s2 =	sld [smem:$0x3FFD];
	_ =	sdelay $0x3  }
0x96: {  	_ =	strace s2  }
0x97: {  	_ =	strace $0x8FFFFFFF  }
0x98: {  	s18 =	sld [smem:$0x3FDB];
	_ =	sdelay $0x1  }
0x99: {  	s19 =	simm.s32 $_scs_section_size  }
0x9a: {  	s4 =	simm.s32 $_size__tile_overlayer_lowered;
	s5 =	simm.s32 $_tile_overlayer_lowered  }
0x9b: {  	s22 =	simm.s32 $0x1BFF;
	s21 =	sshll.u32 s5, $0x1;
	s2 =	sadd.s32 s19, s18  }
0x9c: {  	s6 =	simm.s32 $0x0;
	s20 =	sshll.u32 s4, $0x1;
	s4 =	sadd.s32 s21, s2  }
0x9d: {  	[timem:s6], [sflag:s22] =	dma.local [hbm:s4], s20  }
0x9e: {  	_ =	swait.ge [sflag:s22], s20  }
0x9f: {  	s3 =	ssub.s32 $0x0, s20;
	[sflag:s22] =	ssyncset.done $0x0  }
0xa0: {  	[sflag:s22] =	ssyncadd.s32 s3;
	_ =	sdelay $0x1  }
0xa1: {  	s23 =	simm.s32 $0x1B8B  }
0xa2: {  	_ =	swait.ge [sflag:s23], $0x1  }
0xa3: {  	[sflag:s23] =	ssyncset.done $0x0  }
0xa4: {  	s25 =	simm.s32 $0x1B8E;
	s24 =	sld [smem:$0x3FFE];
	[sflag:s23] =	ssyncadd.s32 $0xFFFFFFFF  }
0xa5: {  	s26 =	simm.s32 $execute0_lowered;
	[smem:$0x3FD2] =	sst s25  }
0xa6: {  	s4 =	sshll.u32 s26, $0x1;
	_ =	strace $0x80000046;
	[dreg:$0x1] =	wrdreg $0xFFFFFFFF  }
0xa7: {  	s28 =	simm.s32 $_size_execute0_lowered;
	s2 =	sadd.s32 s2, s4;
	[dreg:$0x0] =	wrdreg $0x0  }
0xa8: {  	s4 =	sshll.u32 s28, $0x1;
	[dreg:$0x2] =	wrdreg s2  }
0xa9: {  	[dreg:$0x3] =	wrdreg s4  }
0xaa: {  	[dreg:$0x4] =	wrdreg $0xC0  }
0xab: {  	_ =	task [dreg:s6], $0x5FFFF  }
0xac: {  	[dreg:$0x1] =	wrdreg $0xFFFFFFFF  }
0xad: {  	[dreg:$0x0] =	wrdreg $0x60  }
0xae: {  	[dreg:$0x2] =	wrdreg s24  }
0xaf: {  	[dreg:$0x3] =	wrdreg $0x9  }
0xb0: {  	_ =	task.clear_ibuf [dreg:s6], $0x4FFFF;
	_ =	strace $0x90000046  }
0xb1: {  	s29 =	simm.s32 $0x9;
	_ =	strace $0x80000048  }
0xb2: {  	_ =	swait.ge [sflag:s29], $0x1  }
0xb3: {  	[sflag:s29] =	ssyncadd.s32 $0xFFFFFFFF  }
0xb4: {  	_ =	strace $0x90000048  }
0xb5: {  	_ =	sfence  }
0xb6: {  	s30 =	sld [smem:$0x0];
	_ =	sdelay $0x2  }
0xb7: {  	s31 =	sshll.u32 s1, $0xD;
	s1 =	sshrl.u32 s1, $0x2  }
0xb8: {  	s3 =	sand.u32 $0x4000, s31;
	s1 =	sadd.s32 s1, s30  }
0xb9: {  	s0 =	sor.u32 s3, s0;
	s1 =	sshll.u32 s1, $0x11  }
0xba: {  	s0 =	sor.u32 s1, s0  }
0xbb: {  	s0 =	sadd.s32 $0x8F2B, s0  }
0xbc: {  	[sflag:s0] =	ssyncadd.remote.s32 $0x1  }
0xbd: {  	_ =	sfence.sel $0xFFFF  }
0xbe: {  	[dreg:$0x0] =	wrdreg $0xFFFFFFFF;
	(pc) =	sbr.abs _section_cstart, $3  }
0xbf: {  	[dreg:$0x1] =	wrdreg $0xFFFFFFFF  }
0xc0: {  	_ =	task.clear_ibuf [dreg:s6], $0x2FFFF;
	_ =	strace $0x9FFFFFFF  }
0xc1: {  	(tm) =	ssettm $0x7FFFFFFF  }
tec
execute0_lowered:
.L_overlay_start_1:
0x0: {  	(tag) =	ssettag $0x1  }
0x1: {  	s0 =	srdreg.scid  }
0x2: {  	s5 =	rddreg [dreg:$0x0];
	s3 =	sand.u32 $0x1, s0  }
0x3: {  	s2 =	simm.s32 $0x0;
	s0 =	stileid.u32;
	s1 =	sshll.u32 s3, $0x4  }
0x4: {  	s8 =	simm.s32 $0x80;
	s9 =	simm.s32 $0x400;
	s4 =	sor.u32 s0, s1  }
0x5: {  	s10 =	simm.s32 $0x0;
	[smem:$0x7FF] =	sst s2;
	s1 =	sshrl.u32 s4, $0x3  }
0x6: {  	s7 =	sshll.u32 s0, $0x7;
	s3 =	ssub.s32 $0x2, s3;
	s6 =	smul.u32 $0x13C00, s1  }
0x7: {  	s7 =	sand.u32 $0x380, s7;
	s31 =	sshrl.u32 s3, $0x1;
	s4 =	smul.u32 $0x500, s4  }
0x8: {  	s1 =	rddreg [dreg:$0x1];
	_ =	strace $0x80000047;
	s6 =	sor.u32 s7, s6  }
0x9: {  	s4 =	sadd.s32 s4, s5;
	s7 =	simm.s32 $0x2800;
	s6 =	sshrl.u32 s6, $0x3  }
0xa: {  	s5 =	sadd.s32 s6, s5;
	s6 =	ssub.s32 s3, s31;
	s3 =	sadd.s32 $0x3400, s4  }
0xb: {  	v0 =	vimm.f32 $0.0e+00;
	v1 =	vimm.f32 $1.000000000e+00;
	s4 =	sadd.s32 $0xD400, s5;
	s5 =	smax.u32 s6, $0x1;
	s6 =	simm.s32 $0x1  }
.LBB2_1:
0xc: {  	[tilespmem:s2], [sflag:$0x1] =	stream.linear.gather [hbm4b:s3+s2], $0x2800, $0x38;
	[tilespmem:$0x4F80] =	vst v63  }
0xd: {  	_ =	swait.ge [sflag:s6], $0x2800  }
0xe: {  	[sflag:s6] =	ssyncset.done $0x0  }
0xf: {  	s11 =	simm.s32 $0x0;
	[sflag:s6] =	ssyncadd.s32 $0xFFFFD800  }
.LBB2_2:
0x10: {  	p0 =	sne.s32 s11, $0x9DC0  }
.Ltmp0:
0x11: {  	_ = 	snop;
	(pc) =	sbr.rel @p0 .LBB2_2-.Ltmp0, $3  }
0x12: {  	_ =	sdelay $0x1  }
0x13: {  	s12 =	sshra.s32 s11, $0x2  }
0x14: {  	s11 =	sadd.s32 $0x40, s11;
	[tilespmem:s12+$0x2800] =	vst v0  }
0x15: {  	s11 =	simm.s32 $0x0  }
.LBB2_4:
0x16: {  	s12 =	sshra.s32 s11, $0x2  }
0x17: {  	v2 =	vld [tilespmem:s12+$0x0];
	_ =	sdelay $0x7  }
0x18: {  	[tilespmem:v2+s7+$0x0] =	vst.idx.add.f32.msk $0xffff, v1  }
0x19: {  	v2 =	vld [tilespmem:s12+$0x10];
	_ =	sdelay $0x7  }
0x1a: {  	[tilespmem:v2+s7+$0x0] =	vst.idx.add.f32.msk $0xffff, v1  }
0x1b: {  	v2 =	vld [tilespmem:s12+$0x20];
	_ =	sdelay $0x7  }
0x1c: {  	[tilespmem:v2+s7+$0x0] =	vst.idx.add.f32.msk $0xffff, v1  }
0x1d: {  	v2 =	vld [tilespmem:s12+$0x30];
	_ =	sdelay $0x7  }
0x1e: {  	[tilespmem:v2+s7+$0x0] =	vst.idx.add.f32.msk $0xffff, v1  }
0x1f: {  	v2 =	vld [tilespmem:s12+$0x40];
	_ =	sdelay $0x7  }
0x20: {  	[tilespmem:v2+s7+$0x0] =	vst.idx.add.f32.msk $0xffff, v1  }
0x21: {  	v2 =	vld [tilespmem:s12+$0x50];
	_ =	sdelay $0x7  }
0x22: {  	[tilespmem:v2+s7+$0x0] =	vst.idx.add.f32.msk $0xffff, v1  }
0x23: {  	v2 =	vld [tilespmem:s12+$0x60];
	_ =	sdelay $0x7  }
0x24: {  	[tilespmem:v2+s7+$0x0] =	vst.idx.add.f32.msk $0xffff, v1  }
0x25: {  	v2 =	vld [tilespmem:s12+$0x70];
	_ =	sdelay $0x2  }
0x26: {  	p0 =	sne.s32 s11, $0x9E00  }
.Ltmp1:
0x27: {  	_ = 	snop;
	(pc) =	sbr.rel @p0 .LBB2_4-.Ltmp1, $2  }
0x28: {  	_ =	sdelay $0x2  }
0x29: {  	s11 =	sadd.s32 $0x200, s11;
	[tilespmem:v2+s7+$0x0] =	vst.idx.add.f32.msk $0xffff, v1  }
0x2a: {  	s10 =	sadd.s32 $0x1, s10  }
0x2b: {  	p0 =	sne.s32 s10, s5  }
.Ltmp2:
0x2c: {  	_ = 	snop;
	(pc) =	sbr.rel @p0 .LBB2_1-.Ltmp2, $4  }
0x2d: {  	[hbm4b:s4+s8] =	stream.strided.scatter [tilespmem:s7], [sflag:$0x1], $0x2780, s9, s8, $0x38;
	[tilespmem:$0x4F80] =	vst v63  }
0x2e: {  	_ =	swait.ge [sflag:s6], $0x2780  }
0x2f: {  	[sflag:s6] =	ssyncset.done $0x0  }
0x30: {  	[sflag:s6] =	ssyncadd.s32 $0xFFFFD880  }
0x31: {  	_ =	sfence.sel $0x180000  }
0x32: {  	[bflag:$0x0] =	sbarrier.arrive $0xFFFF  }
0x33: {  	p0 =	sne.s32 s0, $0x0;
	_ =	strace $0x90000047  }
0x34: {  	s0 =	sadd.s32 @!p0 $0x100000, s1;
	[bflag:$0x2] =	sbarrier.arrive $0xFFFF  }
0x35: {  	[sflag:s0] =	ssyncadd.tile.s32 @!p0 $0x1;
	_ =	shalt  }
.Lfunc_end2:
_tile_overlayer_lowered:
.L_overlay_start_2:
0x36: {  	(tag) =	ssettag $0x2  }
0x37: {  	s0 =	rddreg [dreg:$0x0];
	s2 =	stileid.u32  }
0x38: {  	s1 =	rddreg [dreg:$0x1];
	p0 =	sne.s32 s2, $0x0  }
0x39: {  	s3 =	rddreg [dreg:$0x2];
	[bflag:$0x3] =	sbarrier.arrive $0xFFFF;
	s2 =	simm.s32 @!p0 $0x1C01  }
0x3a: {  	[timem:s3], [sflag:s2] =	dma.local @!p0 [hbm:s0], s1  }
0x3b: {  	s0 =	simm.s32 @!p0 $0x1  }
0x3c: {  	_ =	swait.ge @!p0 [sflag:s0], s1  }
0x3d: {  	s1 =	ssub.s32 @!p0 $0x0, s1;
	[sflag:s0] =	ssyncset.done @!p0 $0x0  }
0x3e: {  	[sflag:s0] =	ssyncadd.s32 @!p0 s1  }
0x3f: {  	[bflag:$0x3] =	sbarrier.arrive $0xFFFF  }
0x40: {  	_ =	shalt  }

</sc_bundles>
